<compile_context>
chip_gen: v7x
topology: tpu7x:2x2x1
jax: 0.10.2.dev20260603
libtpu: 0.0.44.dev20260713+nightly
codegen_flags: <defaults>
</compile_context>

<pallas_src>
import jax
import jax.numpy as jnp
from jax import lax
from jax.experimental import pallas as pl
from jax.experimental.pallas import tpu as pltpu
from jax.experimental.pallas import tpu_sc as plsc

_NC = 2
_NS = 16
_NW = _NC * _NS
_V = 8192
_N = 8192
_TOK_W = _N // _NW
_TOK_C = 2
_CHUNKS = _TOK_W // _TOK_C
_NBUF = 4
_VPR = _V // 16


def _sc_body(w_hbm, x2_hbm, y_hbm,
             out_hbm, sums_hbm, tgts_hbm,
             idx_v, y_v, b0, b1, b2, b3, sums_v, tgts_v,
             g0, g1, g2, g3, o0, o1, o2, o3):
  bufs = (b0, b1, b2, b3)
  gsems = (g0, g1, g2, g3)
  osems = (o0, o1, o2, o3)

  wid = lax.axis_index("s") * _NC + lax.axis_index("c")
  tok0 = wid * _TOK_W

  pltpu.sync_copy(x2_hbm.at[pl.ds(wid * _CHUNKS, _CHUNKS)], idx_v)
  pltpu.sync_copy(y_hbm.at[pl.ds(tok0, _TOK_W)], y_v)

  def token_stats(buf, t, ti):
    def sum_body(j, s16):
      return s16 + jnp.exp(buf[t, pl.ds(j * 16, 16)])
    s16 = lax.fori_loop(0, _VPR, sum_body, jnp.zeros((16,), jnp.float32),
                        unroll=8)
    s = jnp.sum(s16)

    yv = plsc.load_gather(y_v, [jnp.full((16,), ti, jnp.int32)])
    tgt = jnp.max(plsc.load_gather(buf, [jnp.full((16,), t, jnp.int32), yv]))

    loc = jnp.full((16,), ti, jnp.int32)
    mask = lax.iota(jnp.int32, 16) == 0
    plsc.store_scatter(sums_v, [loc], jnp.full((16,), s, jnp.float32), mask=mask)
    plsc.store_scatter(tgts_v, [loc], jnp.full((16,), tgt, jnp.float32), mask=mask)

  for b in range(2):
    pltpu.async_copy(w_hbm.at[idx_v.at[b]], bufs[b], gsems[b])

  def ring_body(c4, _):
    for b in range(_NBUF):
      c = c4 * _NBUF + b
      buf, gsem, osem = bufs[b], gsems[b], osems[b]
      pltpu.make_async_copy(w_hbm.at[idx_v.at[c]], buf, gsem).wait()
      bn = (b + 2) % _NBUF
      if b < 2:
        @pl.when(c4 >= 1)
        def _wait():
          pltpu.make_async_copy(
              bufs[bn], out_hbm.at[pl.ds(tok0, _TOK_C)], osems[bn]).wait()
        pltpu.async_copy(w_hbm.at[idx_v.at[c + 2]], bufs[bn], gsems[bn])
      else:
        @pl.when(c4 < _CHUNKS // _NBUF - 1)
        def _wait_issue():
          pltpu.make_async_copy(
              bufs[bn], out_hbm.at[pl.ds(tok0, _TOK_C)], osems[bn]).wait()
          pltpu.async_copy(w_hbm.at[idx_v.at[c + 2]], bufs[bn], gsems[bn])
      for t in range(_TOK_C):
        token_stats(buf, t, c * _TOK_C + t)
      pltpu.async_copy(
          buf, out_hbm.at[pl.ds(tok0 + c * _TOK_C, _TOK_C)], osem)
    return 0

  lax.fori_loop(0, _CHUNKS // _NBUF, ring_body, 0)

  for b in range(_NBUF):
    pltpu.make_async_copy(
        bufs[b], out_hbm.at[pl.ds(tok0, _TOK_C)], osems[b]).wait()

  pltpu.sync_copy(sums_v, sums_hbm.at[pl.ds(tok0, _TOK_W)])
  pltpu.sync_copy(tgts_v, tgts_hbm.at[pl.ds(tok0, _TOK_W)])


def _sc_gather_ce(w, x2, yf):
  mesh = plsc.VectorSubcoreMesh(core_axis_name="c", subcore_axis_name="s")
  f = pl.kernel(
      _sc_body,
      out_type=(
          jax.ShapeDtypeStruct((_N, _V), jnp.float32),
          jax.ShapeDtypeStruct((_N,), jnp.float32),
          jax.ShapeDtypeStruct((_N,), jnp.float32),
      ),
      mesh=mesh,
      compiler_params=pltpu.CompilerParams(needs_layout_passes=False, use_tc_tiling_on_sc=True),
      scratch_types=(
          pltpu.VMEM((_CHUNKS, _TOK_C), jnp.int32),
          pltpu.VMEM((_TOK_W,), jnp.int32),
          pltpu.VMEM((_TOK_C, _V), jnp.float32),
          pltpu.VMEM((_TOK_C, _V), jnp.float32),
          pltpu.VMEM((_TOK_C, _V), jnp.float32),
          pltpu.VMEM((_TOK_C, _V), jnp.float32),
          pltpu.VMEM((_TOK_W,), jnp.float32),
          pltpu.VMEM((_TOK_W,), jnp.float32),
          pltpu.SemaphoreType.DMA,
          pltpu.SemaphoreType.DMA,
          pltpu.SemaphoreType.DMA,
          pltpu.SemaphoreType.DMA,
          pltpu.SemaphoreType.DMA,
          pltpu.SemaphoreType.DMA,
          pltpu.SemaphoreType.DMA,
          pltpu.SemaphoreType.DMA,
      ),
  )
  return f(w, x2, yf)


def _loss_body(s_ref, t_ref, o_ref):
  nll = jnp.log(s_ref[...]) - t_ref[...]
  o_ref[0, 0] = jnp.sum(nll) * (1.0 / _N)


def kernel(W, X, Y):
  xf = X.reshape(-1).astype(jnp.int32)
  yf = Y.reshape(-1).astype(jnp.int32)
  x2 = xf.reshape(_NW * _CHUNKS, _TOK_C)

  logits, sums, tgts = _sc_gather_ce(W, x2, yf)

  loss2 = pl.pallas_call(
      _loss_body,
      out_shape=jax.ShapeDtypeStruct((1, 1), jnp.float32),
      in_specs=[pl.BlockSpec(memory_space=pltpu.VMEM)] * 2,
      out_specs=pl.BlockSpec(memory_space=pltpu.SMEM),
  )(sums.reshape(64, 128), tgts.reshape(64, 128))
  loss = loss2.reshape(())

  return (logits, loss)

# --- scband reference (transcript-rebuilt; emitter-appended) ---
"""Pipeline reference for scband-bigram-lm-3994319586042 (READ-ONLY COPY).

The authoritative reference and input builder live on the scoring server;
editing this copy changes nothing except your own understanding.
"""

import jax, jax.numpy as jnp
import numpy as np

VOCAB = 8192
B, T = 4, 2048

def setup_inputs(seed: int = 0) -> dict:
    key = jax.random.key(seed)
    k1, k2, k3 = jax.random.split(key, 3)
    X = jax.random.randint(k1, (B, T), 0, VOCAB, dtype=jnp.int64) if jax.config.jax_enable_x64 else jax.random.randint(k1, (B, T), 0, VOCAB, dtype=jnp.int32)
    Y = jax.random.randint(k2, (B, T), 0, VOCAB, dtype=jnp.int32)
    # learned parameter: nn.Embedding(vocab_size, vocab_size) weight table
    W = jax.random.normal(k3, (VOCAB, VOCAB), dtype=jnp.float32) * 0.02
    return {"W": W, "X": X, "Y": Y}

def reference(W, X, Y):
    # logits = self._embeddings(X)  -> gather rows of the [V, V] table
    logits = jnp.take(W, X, axis=0)            # [B, T, V]
    C = logits.shape[-1]
    logits = logits.reshape(-1, C)             # [B*T, V]
    target = Y.reshape(-1)                     # [B*T]
    # F.cross_entropy with mean reduction
    logp = jax.nn.log_softmax(logits, axis=-1)
    nll = -jnp.take_along_axis(logp, target[:, None], axis=1)[:, 0]
    loss = jnp.mean(nll)
    return (logits, loss)

if __name__ == "__main__":
    import jax
    _d = setup_inputs()
    print(jax.jit(kernel)(*tuple(_d.values())))

</pallas_src>

<mosaic_0001>
#map = affine_map<(d0, d1) -> (0, 0)>
#map1 = affine_map<(d0, d1) -> (0)>
module attributes {stable_mosaic.version = 14 : i64} {
  func.func @_sc_body(%arg0: i32, %arg1: i32, %arg2: memref<8192x8192xf32, #tpu.memory_space<hbm>>, %arg3: memref<4096x2xi32, #tpu.memory_space<hbm>>, %arg4: memref<8192xi32, #tpu.memory_space<hbm>>, %arg5: memref<8192x8192xf32, #tpu.memory_space<hbm>>, %arg6: memref<8192xf32, #tpu.memory_space<hbm>>, %arg7: memref<8192xf32, #tpu.memory_space<hbm>>, %arg8: memref<128x2xi32, #tpu.memory_space<vmem>>, %arg9: memref<256xi32, #tpu.memory_space<vmem>>, %arg10: memref<2x8192xf32, #tpu.memory_space<vmem>>, %arg11: memref<2x8192xf32, #tpu.memory_space<vmem>>, %arg12: memref<2x8192xf32, #tpu.memory_space<vmem>>, %arg13: memref<2x8192xf32, #tpu.memory_space<vmem>>, %arg14: memref<256xf32, #tpu.memory_space<vmem>>, %arg15: memref<256xf32, #tpu.memory_space<vmem>>, %arg16: memref<!tpu.dma_semaphore, #tpu.memory_space<semaphore_mem>>, %arg17: memref<!tpu.dma_semaphore, #tpu.memory_space<semaphore_mem>>, %arg18: memref<!tpu.dma_semaphore, #tpu.memory_space<semaphore_mem>>, %arg19: memref<!tpu.dma_semaphore, #tpu.memory_space<semaphore_mem>>, %arg20: memref<!tpu.dma_semaphore, #tpu.memory_space<semaphore_mem>>, %arg21: memref<!tpu.dma_semaphore, #tpu.memory_space<semaphore_mem>>, %arg22: memref<!tpu.dma_semaphore, #tpu.memory_space<semaphore_mem>>, %arg23: memref<!tpu.dma_semaphore, #tpu.memory_space<semaphore_mem>>) attributes {dimension_semantics = [#tpu.dimension_semantics<core_parallel>, #tpu.dimension_semantics<subcore_parallel>], iteration_bounds = array<i64: 2, 16>, scalar_prefetch = 0 : i64, scratch_operands = 16 : i64, tpu.core_type = #tpu.core_type<sc_vector_subcore>, window_params = [{transform_indices = #map}, {transform_indices = #map}, {transform_indices = #map1}, {transform_indices = #map}, {transform_indices = #map1}, {transform_indices = #map1}]} {
    %mul3A = arith.constant 2 : i32
    %mul3A_0 = arith.muli %arg1, %mul3A : i32
    %add3A = arith.addi %mul3A_0, %arg0 : i32
    %mul3A_1 = arith.constant 256 : i32
    %mul3A_2 = arith.muli %add3A, %mul3A_1 : i32
    %mul3A_3 = arith.constant 128 : i32
    %mul3A_4 = arith.muli %add3A, %mul3A_3 : i32
    "tpu.region"() ({
      %run_scoped3A = tpu.sem_alloc : memref<!tpu.dma_semaphore, #tpu.memory_space<semaphore_mem>>
      %dma_start3A_39 = arith.constant 0 : i32
      %dma_start3A_40 = tpu.memref_slice %arg3[%mul3A_4, %dma_start3A_39] : memref<4096x2xi32, #tpu.memory_space<hbm>> -> memref<128x2xi32, #tpu.memory_space<hbm>>
      %dma_start3A_41 = arith.constant 0 : i32
      %dma_start3A_42 = tpu.memref_slice %arg3[%mul3A_4, %dma_start3A_41] : memref<4096x2xi32, #tpu.memory_space<hbm>> -> memref<128x2xi32, #tpu.memory_space<hbm>>
      tpu.enqueue_dma source(%dma_start3A_42 : memref<128x2xi32, #tpu.memory_space<hbm>>) target(%arg8 : memref<128x2xi32, #tpu.memory_space<vmem>>) target_semaphore(%run_scoped3A : memref<!tpu.dma_semaphore, #tpu.memory_space<semaphore_mem>>)
      %dma_wait3A_43 = arith.constant 0 : i32
      %dma_wait3A_44 = tpu.memref_slice %arg3[%mul3A_4, %dma_wait3A_43] : memref<4096x2xi32, #tpu.memory_space<hbm>> -> memref<128x2xi32, #tpu.memory_space<hbm>>
      %dma_wait3A_45 = arith.constant 0 : i32
      %dma_wait3A_46 = tpu.memref_slice %arg3[%mul3A_4, %dma_wait3A_45] : memref<4096x2xi32, #tpu.memory_space<hbm>> -> memref<128x2xi32, #tpu.memory_space<hbm>>
      tpu.wait_dma2 semaphore(%run_scoped3A : memref<!tpu.dma_semaphore, #tpu.memory_space<semaphore_mem>>) src(%dma_wait3A_46 : memref<128x2xi32, #tpu.memory_space<hbm>>) dst(%arg8 : memref<128x2xi32, #tpu.memory_space<vmem>>)
      tpu.yield
    }) : () -> ()
    "tpu.region"() ({
      %run_scoped3A = tpu.sem_alloc : memref<!tpu.dma_semaphore, #tpu.memory_space<semaphore_mem>>
      %dma_start3A_39 = tpu.memref_slice %arg4[%mul3A_2] : memref<8192xi32, #tpu.memory_space<hbm>> -> memref<256xi32, #tpu.memory_space<hbm>>
      %dma_start3A_40 = tpu.memref_slice %arg4[%mul3A_2] : memref<8192xi32, #tpu.memory_space<hbm>> -> memref<256xi32, #tpu.memory_space<hbm>>
      tpu.enqueue_dma source(%dma_start3A_40 : memref<256xi32, #tpu.memory_space<hbm>>) target(%arg9 : memref<256xi32, #tpu.memory_space<vmem>>) target_semaphore(%run_scoped3A : memref<!tpu.dma_semaphore, #tpu.memory_space<semaphore_mem>>)
      %dma_wait3A_41 = tpu.memref_slice %arg4[%mul3A_2] : memref<8192xi32, #tpu.memory_space<hbm>> -> memref<256xi32, #tpu.memory_space<hbm>>
      %dma_wait3A_42 = tpu.memref_slice %arg4[%mul3A_2] : memref<8192xi32, #tpu.memory_space<hbm>> -> memref<256xi32, #tpu.memory_space<hbm>>
      tpu.wait_dma2 semaphore(%run_scoped3A : memref<!tpu.dma_semaphore, #tpu.memory_space<semaphore_mem>>) src(%dma_wait3A_42 : memref<256xi32, #tpu.memory_space<hbm>>) dst(%arg9 : memref<256xi32, #tpu.memory_space<vmem>>)
      tpu.yield
    }) : () -> ()
    %dma_start3A = arith.constant 0 : i32
    %dma_start3A_5 = arith.constant 0 : i32
    %dma_start3A_6 = tpu.memref_slice %arg8[%dma_start3A, %dma_start3A_5] : memref<128x2xi32, #tpu.memory_space<vmem>> -> memref<1x2xi32, #tpu.memory_space<vmem>>
    %dma_start3A_7 = tpu.memref_squeeze %dma_start3A_6 : memref<1x2xi32, #tpu.memory_space<vmem>> -> memref<2xi32, #tpu.memory_space<vmem>>
    %dma_start3A_8 = arith.constant 0 : i32
    %dma_start3A_9 = arith.constant 0 : i32
    %dma_start3A_10 = tpu.memref_slice %arg2[%dma_start3A_8, %dma_start3A_9] : memref<8192x8192xf32, #tpu.memory_space<hbm>> -> memref<8192x8192xf32, #tpu.memory_space<hbm>>
    tpu.enqueue_indirect_dma source(%dma_start3A_10 : memref<8192x8192xf32, #tpu.memory_space<hbm>>) target(%arg10 : memref<2x8192xf32, #tpu.memory_space<vmem>>) offsets(%dma_start3A_7 : memref<2xi32, #tpu.memory_space<vmem>>) semaphore(%arg16 : memref<!tpu.dma_semaphore, #tpu.memory_space<semaphore_mem>>)
    %dma_start3A_11 = arith.constant 1 : i32
    %dma_start3A_12 = arith.constant 0 : i32
    %dma_start3A_13 = tpu.memref_slice %arg8[%dma_start3A_11, %dma_start3A_12] : memref<128x2xi32, #tpu.memory_space<vmem>> -> memref<1x2xi32, #tpu.memory_space<vmem>>
    %dma_start3A_14 = tpu.memref_squeeze %dma_start3A_13 : memref<1x2xi32, #tpu.memory_space<vmem>> -> memref<2xi32, #tpu.memory_space<vmem>>
    %dma_start3A_15 = arith.constant 0 : i32
    %dma_start3A_16 = arith.constant 0 : i32
    %dma_start3A_17 = tpu.memref_slice %arg2[%dma_start3A_15, %dma_start3A_16] : memref<8192x8192xf32, #tpu.memory_space<hbm>> -> memref<8192x8192xf32, #tpu.memory_space<hbm>>
    tpu.enqueue_indirect_dma source(%dma_start3A_17 : memref<8192x8192xf32, #tpu.memory_space<hbm>>) target(%arg11 : memref<2x8192xf32, #tpu.memory_space<vmem>>) offsets(%dma_start3A_14 : memref<2xi32, #tpu.memory_space<vmem>>) semaphore(%arg17 : memref<!tpu.dma_semaphore, #tpu.memory_space<semaphore_mem>>)
    %scan3A = arith.constant 0 : i32
    %scan3A_18 = arith.constant 0 : i32
    %scan3A_19 = arith.constant 32 : i32
    %scan3A_20 = arith.addi %scan3A_18, %scan3A_19 : i32
    %scan3A_21 = arith.constant 1 : i32
    %scan3A_22 = scf.for %scan3A_39 = %scan3A_18 to %scan3A_20 step %scan3A_21 iter_args(%scan3A_40 = %scan3A) -> (i32)  : i32 {
      %mul3A_41 = arith.constant 4 : i32
      %mul3A_42 = arith.muli %scan3A_39, %mul3A_41 : i32
      %add3A_43 = arith.constant 0 : i32
      %add3A_44 = arith.addi %mul3A_42, %add3A_43 : i32
      %dma_wait3A_45 = arith.constant 0 : i32
      %dma_wait3A_46 = tpu.memref_slice %arg8[%add3A_44, %dma_wait3A_45] : memref<128x2xi32, #tpu.memory_space<vmem>> -> memref<1x2xi32, #tpu.memory_space<vmem>>
      %dma_wait3A_47 = tpu.memref_squeeze %dma_wait3A_46 : memref<1x2xi32, #tpu.memory_space<vmem>> -> memref<2xi32, #tpu.memory_space<vmem>>
      %dma_wait3A_48 = arith.constant 0 : i32
      %dma_wait3A_49 = arith.constant 0 : i32
      %dma_wait3A_50 = tpu.memref_slice %arg2[%dma_wait3A_48, %dma_wait3A_49] : memref<8192x8192xf32, #tpu.memory_space<hbm>> -> memref<8192x8192xf32, #tpu.memory_space<hbm>>
      tpu.wait_indirect_dma semaphore(%arg16 : memref<!tpu.dma_semaphore, #tpu.memory_space<semaphore_mem>>) src(%dma_wait3A_50 : memref<8192x8192xf32, #tpu.memory_space<hbm>>) dst(%arg10 : memref<2x8192xf32, #tpu.memory_space<vmem>>)
      %ge3A = arith.constant 1 : i32
      %ge3A_51 = arith.cmpi sge, %scan3A_39, %ge3A : i32
      %convert_element_type3A = arith.extui %ge3A_51 : i1 to i32
      %cond3A = arith.constant 0 : i32
      %cond3A_52 = arith.cmpi ne, %convert_element_type3A, %cond3A : i32
      scf.if %cond3A_52 {
        %dma_wait3A_392 = arith.constant 0 : i32
        %dma_wait3A_393 = tpu.memref_slice %arg5[%mul3A_2, %dma_wait3A_392] : memref<8192x8192xf32, #tpu.memory_space<hbm>> -> memref<2x8192xf32, #tpu.memory_space<hbm>>
        %dma_wait3A_394 = arith.constant 0 : i32
        %dma_wait3A_395 = tpu.memref_slice %arg5[%mul3A_2, %dma_wait3A_394] : memref<8192x8192xf32, #tpu.memory_space<hbm>> -> memref<2x8192xf32, #tpu.memory_space<hbm>>
        tpu.wait_dma2 semaphore(%arg22 : memref<!tpu.dma_semaphore, #tpu.memory_space<semaphore_mem>>) src(%arg12 : memref<2x8192xf32, #tpu.memory_space<vmem>>) dst(%dma_wait3A_395 : memref<2x8192xf32, #tpu.memory_space<hbm>>)
      } else {
      }
      %add3A_53 = arith.constant 2 : i32
      %add3A_54 = arith.addi %add3A_44, %add3A_53 : i32
      %dma_start3A_55 = arith.constant 0 : i32
      %dma_start3A_56 = tpu.memref_slice %arg8[%add3A_54, %dma_start3A_55] : memref<128x2xi32, #tpu.memory_space<vmem>> -> memref<1x2xi32, #tpu.memory_space<vmem>>
      %dma_start3A_57 = tpu.memref_squeeze %dma_start3A_56 : memref<1x2xi32, #tpu.memory_space<vmem>> -> memref<2xi32, #tpu.memory_space<vmem>>
      %dma_start3A_58 = arith.constant 0 : i32
      %dma_start3A_59 = arith.constant 0 : i32
      %dma_start3A_60 = tpu.memref_slice %arg2[%dma_start3A_58, %dma_start3A_59] : memref<8192x8192xf32, #tpu.memory_space<hbm>> -> memref<8192x8192xf32, #tpu.memory_space<hbm>>
      tpu.enqueue_indirect_dma source(%dma_start3A_60 : memref<8192x8192xf32, #tpu.memory_space<hbm>>) target(%arg12 : memref<2x8192xf32, #tpu.memory_space<vmem>>) offsets(%dma_start3A_57 : memref<2xi32, #tpu.memory_space<vmem>>) semaphore(%arg18 : memref<!tpu.dma_semaphore, #tpu.memory_space<semaphore_mem>>)
      %mul3A_61 = arith.constant 2 : i32
      %mul3A_62 = arith.muli %add3A_44, %mul3A_61 : i32
      %add3A_63 = arith.constant 0 : i32
      %add3A_64 = arith.addi %mul3A_62, %add3A_63 : i32
      %broadcast_in_dim3A = arith.constant 0.000000e+00 : f32
      %broadcast_in_dim3A_65 = vector.broadcast %broadcast_in_dim3A : f32 to vector<16xf32>
      %scan3A_66 = arith.constant 0 : i32
      %scan3A_67 = arith.constant 512 : i32
      %scan3A_68 = arith.addi %scan3A_66, %scan3A_67 : i32
      %scan3A_69 = arith.constant 8 : i32
      %scan3A_70 = scf.for %scan3A_392 = %scan3A_66 to %scan3A_68 step %scan3A_69 iter_args(%scan3A_393 = %broadcast_in_dim3A_65) -> (vector<16xf32>)  : i32 {
        %mul3A_394 = arith.constant 16 : i32
        %mul3A_395 = arith.muli %scan3A_392, %mul3A_394 : i32
        %get3A = arith.constant 0 : i32
        %get3A_396 = arith.index_cast %get3A : i32 to index
        %get3A_397 = arith.index_cast %mul3A_395 : i32 to index
        %get3A_398 = tpu.vector_load %arg10[%get3A_396, %get3A_397] {strides = array<i32>} : memref<2x8192xf32, #tpu.memory_space<vmem>>, vector<16xf32>,
        %exp3A = math.exp %get3A_398 : vector<16xf32>
        %add3A_399 = arith.addf %scan3A_393, %exp3A : vector<16xf32>
        %scan3A_400 = arith.constant 1 : i32
        %scan3A_401 = arith.addi %scan3A_392, %scan3A_400 : i32
        %mul3A_402 = arith.constant 16 : i32
        %mul3A_403 = arith.muli %scan3A_401, %mul3A_402 : i32
        %get3A_404 = arith.constant 0 : i32
        %get3A_405 = arith.index_cast %get3A_404 : i32 to index
        %get3A_406 = arith.index_cast %mul3A_403 : i32 to index
        %get3A_407 = tpu.vector_load %arg10[%get3A_405, %get3A_406] {strides = array<i32>} : memref<2x8192xf32, #tpu.memory_space<vmem>>, vector<16xf32>,
        %exp3A_408 = math.exp %get3A_407 : vector<16xf32>
        %add3A_409 = arith.addf %add3A_399, %exp3A_408 : vector<16xf32>
        %scan3A_410 = arith.constant 2 : i32
        %scan3A_411 = arith.addi %scan3A_392, %scan3A_410 : i32
        %mul3A_412 = arith.constant 16 : i32
        %mul3A_413 = arith.muli %scan3A_411, %mul3A_412 : i32
        %get3A_414 = arith.constant 0 : i32
        %get3A_415 = arith.index_cast %get3A_414 : i32 to index
        %get3A_416 = arith.index_cast %mul3A_413 : i32 to index
        %get3A_417 = tpu.vector_load %arg10[%get3A_415, %get3A_416] {strides = array<i32>} : memref<2x8192xf32, #tpu.memory_space<vmem>>, vector<16xf32>,
        %exp3A_418 = math.exp %get3A_417 : vector<16xf32>
        %add3A_419 = arith.addf %add3A_409, %exp3A_418 : vector<16xf32>
        %scan3A_420 = arith.constant 3 : i32
        %scan3A_421 = arith.addi %scan3A_392, %scan3A_420 : i32
        %mul3A_422 = arith.constant 16 : i32
        %mul3A_423 = arith.muli %scan3A_421, %mul3A_422 : i32
        %get3A_424 = arith.constant 0 : i32
        %get3A_425 = arith.index_cast %get3A_424 : i32 to index
        %get3A_426 = arith.index_cast %mul3A_423 : i32 to index
        %get3A_427 = tpu.vector_load %arg10[%get3A_425, %get3A_426] {strides = array<i32>} : memref<2x8192xf32, #tpu.memory_space<vmem>>, vector<16xf32>,
        %exp3A_428 = math.exp %get3A_427 : vector<16xf32>
        %add3A_429 = arith.addf %add3A_419, %exp3A_428 : vector<16xf32>
        %scan3A_430 = arith.constant 4 : i32
        %scan3A_431 = arith.addi %scan3A_392, %scan3A_430 : i32
        %mul3A_432 = arith.constant 16 : i32
        %mul3A_433 = arith.muli %scan3A_431, %mul3A_432 : i32
        %get3A_434 = arith.constant 0 : i32
        %get3A_435 = arith.index_cast %get3A_434 : i32 to index
        %get3A_436 = arith.index_cast %mul3A_433 : i32 to index
        %get3A_437 = tpu.vector_load %arg10[%get3A_435, %get3A_436] {strides = array<i32>} : memref<2x8192xf32, #tpu.memory_space<vmem>>, vector<16xf32>,
        %exp3A_438 = math.exp %get3A_437 : vector<16xf32>
        %add3A_439 = arith.addf %add3A_429, %exp3A_438 : vector<16xf32>
        %scan3A_440 = arith.constant 5 : i32
        %scan3A_441 = arith.addi %scan3A_392, %scan3A_440 : i32
        %mul3A_442 = arith.constant 16 : i32
        %mul3A_443 = arith.muli %scan3A_441, %mul3A_442 : i32
        %get3A_444 = arith.constant 0 : i32
        %get3A_445 = arith.index_cast %get3A_444 : i32 to index
        %get3A_446 = arith.index_cast %mul3A_443 : i32 to index
        %get3A_447 = tpu.vector_load %arg10[%get3A_445, %get3A_446] {strides = array<i32>} : memref<2x8192xf32, #tpu.memory_space<vmem>>, vector<16xf32>,
        %exp3A_448 = math.exp %get3A_447 : vector<16xf32>
        %add3A_449 = arith.addf %add3A_439, %exp3A_448 : vector<16xf32>
        %scan3A_450 = arith.constant 6 : i32
        %scan3A_451 = arith.addi %scan3A_392, %scan3A_450 : i32
        %mul3A_452 = arith.constant 16 : i32
        %mul3A_453 = arith.muli %scan3A_451, %mul3A_452 : i32
        %get3A_454 = arith.constant 0 : i32
        %get3A_455 = arith.index_cast %get3A_454 : i32 to index
        %get3A_456 = arith.index_cast %mul3A_453 : i32 to index
        %get3A_457 = tpu.vector_load %arg10[%get3A_455, %get3A_456] {strides = array<i32>} : memref<2x8192xf32, #tpu.memory_space<vmem>>, vector<16xf32>,
        %exp3A_458 = math.exp %get3A_457 : vector<16xf32>
        %add3A_459 = arith.addf %add3A_449, %exp3A_458 : vector<16xf32>
        %scan3A_460 = arith.constant 7 : i32
        %scan3A_461 = arith.addi %scan3A_392, %scan3A_460 : i32
        %mul3A_462 = arith.constant 16 : i32
        %mul3A_463 = arith.muli %scan3A_461, %mul3A_462 : i32
        %get3A_464 = arith.constant 0 : i32
        %get3A_465 = arith.index_cast %get3A_464 : i32 to index
        %get3A_466 = arith.index_cast %mul3A_463 : i32 to index
        %get3A_467 = tpu.vector_load %arg10[%get3A_465, %get3A_466] {strides = array<i32>} : memref<2x8192xf32, #tpu.memory_space<vmem>>, vector<16xf32>,
        %exp3A_468 = math.exp %get3A_467 : vector<16xf32>
        %add3A_469 = arith.addf %add3A_459, %exp3A_468 : vector<16xf32>
        scf.yield %add3A_469 : vector<16xf32>
      }
      %scan3A_71 = arith.constant 512 : i32
      %reduce_sum3A = arith.constant true
      %reduce_sum3A_72 = vector.broadcast %reduce_sum3A : i1 to vector<16xi1>
      %reduce_sum3A_73 = tpu.scan <sum>, %scan3A_70 masked %reduce_sum3A_72 : vector<16xf32>, vector<16xi1> -> vector<16xf32>
      %reduce_sum3A_74 = vector.extract %reduce_sum3A_73[15] : f32 from vector<16xf32>
      %broadcast_in_dim3A_75 = vector.broadcast %add3A_64 : i32 to vector<16xi32>
      %gather3A = tpu.vector_load_idx %arg9[%broadcast_in_dim3A_75] : memref<256xi32, #tpu.memory_space<vmem>>[vector<16xi32>], vector<16xi32>,
      %broadcast_in_dim3A_76 = arith.constant 0 : i32
      %broadcast_in_dim3A_77 = vector.broadcast %broadcast_in_dim3A_76 : i32 to vector<16xi32>
      %gather3A_78 = tpu.vector_load_idx %arg10[%broadcast_in_dim3A_77, %gather3A] : memref<2x8192xf32, #tpu.memory_space<vmem>>[vector<16xi32>, vector<16xi32>], vector<16xf32>,
      %reduce_max3A = arith.constant true
      %reduce_max3A_79 = vector.broadcast %reduce_max3A : i1 to vector<16xi1>
      %reduce_max3A_80 = tpu.scan <max>, %gather3A_78 masked %reduce_max3A_79 : vector<16xf32>, vector<16xi1> -> vector<16xf32>
      %reduce_max3A_81 = vector.extract %reduce_max3A_80[15] : f32 from vector<16xf32>
      %broadcast_in_dim3A_82 = vector.broadcast %add3A_64 : i32 to vector<16xi32>
      %iota3A = tpu.iota {dimensions = array<i32: 0>} : vector<16xi32>
      %eq3A = arith.constant 0 : i32
      %eq3A_83 = vector.broadcast %eq3A : i32 to vector<16xi32>
      %eq3A_84 = arith.cmpi eq, %iota3A, %eq3A_83 : vector<16xi32>
      %broadcast_in_dim3A_85 = vector.broadcast %reduce_sum3A_74 : f32 to vector<16xf32>
      tpu.vector_store_idx %arg14[%broadcast_in_dim3A_82], %broadcast_in_dim3A_85 masked %eq3A_84 : memref<256xf32, #tpu.memory_space<vmem>>[vector<16xi32>], vector<16xf32>, vector<16xi1>
      %broadcast_in_dim3A_86 = vector.broadcast %reduce_max3A_81 : f32 to vector<16xf32>
      tpu.vector_store_idx %arg15[%broadcast_in_dim3A_82], %broadcast_in_dim3A_86 masked %eq3A_84 : memref<256xf32, #tpu.memory_space<vmem>>[vector<16xi32>], vector<16xf32>, vector<16xi1>
      %mul3A_87 = arith.constant 2 : i32
      %mul3A_88 = arith.muli %add3A_44, %mul3A_87 : i32
      %add3A_89 = arith.constant 1 : i32
      %add3A_90 = arith.addi %mul3A_88, %add3A_89 : i32
      %broadcast_in_dim3A_91 = arith.constant 0.000000e+00 : f32
      %broadcast_in_dim3A_92 = vector.broadcast %broadcast_in_dim3A_91 : f32 to vector<16xf32>
      %scan3A_93 = arith.constant 0 : i32
      %scan3A_94 = arith.constant 512 : i32
      %scan3A_95 = arith.addi %scan3A_93, %scan3A_94 : i32
      %scan3A_96 = arith.constant 8 : i32
      %scan3A_97 = scf.for %scan3A_392 = %scan3A_93 to %scan3A_95 step %scan3A_96 iter_args(%scan3A_393 = %broadcast_in_dim3A_92) -> (vector<16xf32>)  : i32 {
        %mul3A_394 = arith.constant 16 : i32
        %mul3A_395 = arith.muli %scan3A_392, %mul3A_394 : i32
        %get3A = arith.constant 1 : i32
        %get3A_396 = arith.index_cast %get3A : i32 to index
        %get3A_397 = arith.index_cast %mul3A_395 : i32 to index
        %get3A_398 = tpu.vector_load %arg10[%get3A_396, %get3A_397] {strides = array<i32>} : memref<2x8192xf32, #tpu.memory_space<vmem>>, vector<16xf32>,
        %exp3A = math.exp %get3A_398 : vector<16xf32>
        %add3A_399 = arith.addf %scan3A_393, %exp3A : vector<16xf32>
        %scan3A_400 = arith.constant 1 : i32
        %scan3A_401 = arith.addi %scan3A_392, %scan3A_400 : i32
        %mul3A_402 = arith.constant 16 : i32
        %mul3A_403 = arith.muli %scan3A_401, %mul3A_402 : i32
        %get3A_404 = arith.constant 1 : i32
        %get3A_405 = arith.index_cast %get3A_404 : i32 to index
        %get3A_406 = arith.index_cast %mul3A_403 : i32 to index
        %get3A_407 = tpu.vector_load %arg10[%get3A_405, %get3A_406] {strides = array<i32>} : memref<2x8192xf32, #tpu.memory_space<vmem>>, vector<16xf32>,
        %exp3A_408 = math.exp %get3A_407 : vector<16xf32>
        %add3A_409 = arith.addf %add3A_399, %exp3A_408 : vector<16xf32>
        %scan3A_410 = arith.constant 2 : i32
        %scan3A_411 = arith.addi %scan3A_392, %scan3A_410 : i32
        %mul3A_412 = arith.constant 16 : i32
        %mul3A_413 = arith.muli %scan3A_411, %mul3A_412 : i32
        %get3A_414 = arith.constant 1 : i32
        %get3A_415 = arith.index_cast %get3A_414 : i32 to index
        %get3A_416 = arith.index_cast %mul3A_413 : i32 to index
        %get3A_417 = tpu.vector_load %arg10[%get3A_415, %get3A_416] {strides = array<i32>} : memref<2x8192xf32, #tpu.memory_space<vmem>>, vector<16xf32>,
        %exp3A_418 = math.exp %get3A_417 : vector<16xf32>
        %add3A_419 = arith.addf %add3A_409, %exp3A_418 : vector<16xf32>
        %scan3A_420 = arith.constant 3 : i32
        %scan3A_421 = arith.addi %scan3A_392, %scan3A_420 : i32
        %mul3A_422 = arith.constant 16 : i32
        %mul3A_423 = arith.muli %scan3A_421, %mul3A_422 : i32
        %get3A_424 = arith.constant 1 : i32
        %get3A_425 = arith.index_cast %get3A_424 : i32 to index
        %get3A_426 = arith.index_cast %mul3A_423 : i32 to index
        %get3A_427 = tpu.vector_load %arg10[%get3A_425, %get3A_426] {strides = array<i32>} : memref<2x8192xf32, #tpu.memory_space<vmem>>, vector<16xf32>,
        %exp3A_428 = math.exp %get3A_427 : vector<16xf32>
        %add3A_429 = arith.addf %add3A_419, %exp3A_428 : vector<16xf32>
        %scan3A_430 = arith.constant 4 : i32
        %scan3A_431 = arith.addi %scan3A_392, %scan3A_430 : i32
        %mul3A_432 = arith.constant 16 : i32
        %mul3A_433 = arith.muli %scan3A_431, %mul3A_432 : i32
        %get3A_434 = arith.constant 1 : i32
        %get3A_435 = arith.index_cast %get3A_434 : i32 to index
        %get3A_436 = arith.index_cast %mul3A_433 : i32 to index
        %get3A_437 = tpu.vector_load %arg10[%get3A_435, %get3A_436] {strides = array<i32>} : memref<2x8192xf32, #tpu.memory_space<vmem>>, vector<16xf32>,
        %exp3A_438 = math.exp %get3A_437 : vector<16xf32>
        %add3A_439 = arith.addf %add3A_429, %exp3A_438 : vector<16xf32>
        %scan3A_440 = arith.constant 5 : i32
        %scan3A_441 = arith.addi %scan3A_392, %scan3A_440 : i32
        %mul3A_442 = arith.constant 16 : i32
        %mul3A_443 = arith.muli %scan3A_441, %mul3A_442 : i32
        %get3A_444 = arith.constant 1 : i32
        %get3A_445 = arith.index_cast %get3A_444 : i32 to index
        %get3A_446 = arith.index_cast %mul3A_443 : i32 to index
        %get3A_447 = tpu.vector_load %arg10[%get3A_445, %get3A_446] {strides = array<i32>} : memref<2x8192xf32, #tpu.memory_space<vmem>>, vector<16xf32>,
        %exp3A_448 = math.exp %get3A_447 : vector<16xf32>
        %add3A_449 = arith.addf %add3A_439, %exp3A_448 : vector<16xf32>
        %scan3A_450 = arith.constant 6 : i32
        %scan3A_451 = arith.addi %scan3A_392, %scan3A_450 : i32
        %mul3A_452 = arith.constant 16 : i32
        %mul3A_453 = arith.muli %scan3A_451, %mul3A_452 : i32
        %get3A_454 = arith.constant 1 : i32
        %get3A_455 = arith.index_cast %get3A_454 : i32 to index
        %get3A_456 = arith.index_cast %mul3A_453 : i32 to index
        %get3A_457 = tpu.vector_load %arg10[%get3A_455, %get3A_456] {strides = array<i32>} : memref<2x8192xf32, #tpu.memory_space<vmem>>, vector<16xf32>,
        %exp3A_458 = math.exp %get3A_457 : vector<16xf32>
        %add3A_459 = arith.addf %add3A_449, %exp3A_458 : vector<16xf32>
        %scan3A_460 = arith.constant 7 : i32
        %scan3A_461 = arith.addi %scan3A_392, %scan3A_460 : i32
        %mul3A_462 = arith.constant 16 : i32
        %mul3A_463 = arith.muli %scan3A_461, %mul3A_462 : i32
        %get3A_464 = arith.constant 1 : i32
        %get3A_465 = arith.index_cast %get3A_464 : i32 to index
        %get3A_466 = arith.index_cast %mul3A_463 : i32 to index
        %get3A_467 = tpu.vector_load %arg10[%get3A_465, %get3A_466] {strides = array<i32>} : memref<2x8192xf32, #tpu.memory_space<vmem>>, vector<16xf32>,
        %exp3A_468 = math.exp %get3A_467 : vector<16xf32>
        %add3A_469 = arith.addf %add3A_459, %exp3A_468 : vector<16xf32>
        scf.yield %add3A_469 : vector<16xf32>
      }
      %scan3A_98 = arith.constant 512 : i32
      %reduce_sum3A_99 = arith.constant true
      %reduce_sum3A_100 = vector.broadcast %reduce_sum3A_99 : i1 to vector<16xi1>
      %reduce_sum3A_101 = tpu.scan <sum>, %scan3A_97 masked %reduce_sum3A_100 : vector<16xf32>, vector<16xi1> -> vector<16xf32>
      %reduce_sum3A_102 = vector.extract %reduce_sum3A_101[15] : f32 from vector<16xf32>
      %broadcast_in_dim3A_103 = vector.broadcast %add3A_90 : i32 to vector<16xi32>
      %gather3A_104 = tpu.vector_load_idx %arg9[%broadcast_in_dim3A_103] : memref<256xi32, #tpu.memory_space<vmem>>[vector<16xi32>], vector<16xi32>,
      %broadcast_in_dim3A_105 = arith.constant 1 : i32
      %broadcast_in_dim3A_106 = vector.broadcast %broadcast_in_dim3A_105 : i32 to vector<16xi32>
      %gather3A_107 = tpu.vector_load_idx %arg10[%broadcast_in_dim3A_106, %gather3A_104] : memref<2x8192xf32, #tpu.memory_space<vmem>>[vector<16xi32>, vector<16xi32>], vector<16xf32>,
      %reduce_max3A_108 = arith.constant true
      %reduce_max3A_109 = vector.broadcast %reduce_max3A_108 : i1 to vector<16xi1>
      %reduce_max3A_110 = tpu.scan <max>, %gather3A_107 masked %reduce_max3A_109 : vector<16xf32>, vector<16xi1> -> vector<16xf32>
      %reduce_max3A_111 = vector.extract %reduce_max3A_110[15] : f32 from vector<16xf32>
      %broadcast_in_dim3A_112 = vector.broadcast %add3A_90 : i32 to vector<16xi32>
      %iota3A_113 = tpu.iota {dimensions = array<i32: 0>} : vector<16xi32>
      %eq3A_114 = arith.constant 0 : i32
      %eq3A_115 = vector.broadcast %eq3A_114 : i32 to vector<16xi32>
      %eq3A_116 = arith.cmpi eq, %iota3A_113, %eq3A_115 : vector<16xi32>
      %broadcast_in_dim3A_117 = vector.broadcast %reduce_sum3A_102 : f32 to vector<16xf32>
      tpu.vector_store_idx %arg14[%broadcast_in_dim3A_112], %broadcast_in_dim3A_117 masked %eq3A_116 : memref<256xf32, #tpu.memory_space<vmem>>[vector<16xi32>], vector<16xf32>, vector<16xi1>
      %broadcast_in_dim3A_118 = vector.broadcast %reduce_max3A_111 : f32 to vector<16xf32>
      tpu.vector_store_idx %arg15[%broadcast_in_dim3A_112], %broadcast_in_dim3A_118 masked %eq3A_116 : memref<256xf32, #tpu.memory_space<vmem>>[vector<16xi32>], vector<16xf32>, vector<16xi1>
      %mul3A_119 = arith.constant 2 : i32
      %mul3A_120 = arith.muli %add3A_44, %mul3A_119 : i32
      %add3A_121 = arith.addi %mul3A_2, %mul3A_120 : i32
      %dma_start3A_122 = arith.constant 0 : i32
      %dma_start3A_123 = tpu.memref_slice %arg5[%add3A_121, %dma_start3A_122] : memref<8192x8192xf32, #tpu.memory_space<hbm>> -> memref<2x8192xf32, #tpu.memory_space<hbm>>
      %dma_start3A_124 = arith.constant 0 : i32
      %dma_start3A_125 = tpu.memref_slice %arg5[%add3A_121, %dma_start3A_124] : memref<8192x8192xf32, #tpu.memory_space<hbm>> -> memref<2x8192xf32, #tpu.memory_space<hbm>>
      tpu.enqueue_dma source(%arg10 : memref<2x8192xf32, #tpu.memory_space<vmem>>) target(%dma_start3A_125 : memref<2x8192xf32, #tpu.memory_space<hbm>>) target_semaphore(%arg20 : memref<!tpu.dma_semaphore, #tpu.memory_space<semaphore_mem>>)
      %mul3A_126 = arith.constant 4 : i32
      %mul3A_127 = arith.muli %scan3A_39, %mul3A_126 : i32
      %add3A_128 = arith.constant 1 : i32
      %add3A_129 = arith.addi %mul3A_127, %add3A_128 : i32
      %dma_wait3A_130 = arith.constant 0 : i32
      %dma_wait3A_131 = tpu.memref_slice %arg8[%add3A_129, %dma_wait3A_130] : memref<128x2xi32, #tpu.memory_space<vmem>> -> memref<1x2xi32, #tpu.memory_space<vmem>>
      %dma_wait3A_132 = tpu.memref_squeeze %dma_wait3A_131 : memref<1x2xi32, #tpu.memory_space<vmem>> -> memref<2xi32, #tpu.memory_space<vmem>>
      %dma_wait3A_133 = arith.constant 0 : i32
      %dma_wait3A_134 = arith.constant 0 : i32
      %dma_wait3A_135 = tpu.memref_slice %arg2[%dma_wait3A_133, %dma_wait3A_134] : memref<8192x8192xf32, #tpu.memory_space<hbm>> -> memref<8192x8192xf32, #tpu.memory_space<hbm>>
      tpu.wait_indirect_dma semaphore(%arg17 : memref<!tpu.dma_semaphore, #tpu.memory_space<semaphore_mem>>) src(%dma_wait3A_135 : memref<8192x8192xf32, #tpu.memory_space<hbm>>) dst(%arg11 : memref<2x8192xf32, #tpu.memory_space<vmem>>)
      %ge3A_136 = arith.constant 1 : i32
      %ge3A_137 = arith.cmpi sge, %scan3A_39, %ge3A_136 : i32
      %convert_element_type3A_138 = arith.extui %ge3A_137 : i1 to i32
      %cond3A_139 = arith.constant 0 : i32
      %cond3A_140 = arith.cmpi ne, %convert_element_type3A_138, %cond3A_139 : i32
      scf.if %cond3A_140 {
        %dma_wait3A_392 = arith.constant 0 : i32
        %dma_wait3A_393 = tpu.memref_slice %arg5[%mul3A_2, %dma_wait3A_392] : memref<8192x8192xf32, #tpu.memory_space<hbm>> -> memref<2x8192xf32, #tpu.memory_space<hbm>>
        %dma_wait3A_394 = arith.constant 0 : i32
        %dma_wait3A_395 = tpu.memref_slice %arg5[%mul3A_2, %dma_wait3A_394] : memref<8192x8192xf32, #tpu.memory_space<hbm>> -> memref<2x8192xf32, #tpu.memory_space<hbm>>
        tpu.wait_dma2 semaphore(%arg23 : memref<!tpu.dma_semaphore, #tpu.memory_space<semaphore_mem>>) src(%arg13 : memref<2x8192xf32, #tpu.memory_space<vmem>>) dst(%dma_wait3A_395 : memref<2x8192xf32, #tpu.memory_space<hbm>>)
      } else {
      }
      %add3A_141 = arith.constant 2 : i32
      %add3A_142 = arith.addi %add3A_129, %add3A_141 : i32
      %dma_start3A_143 = arith.constant 0 : i32
      %dma_start3A_144 = tpu.memref_slice %arg8[%add3A_142, %dma_start3A_143] : memref<128x2xi32, #tpu.memory_space<vmem>> -> memref<1x2xi32, #tpu.memory_space<vmem>>
      %dma_start3A_145 = tpu.memref_squeeze %dma_start3A_144 : memref<1x2xi32, #tpu.memory_space<vmem>> -> memref<2xi32, #tpu.memory_space<vmem>>
      %dma_start3A_146 = arith.constant 0 : i32
      %dma_start3A_147 = arith.constant 0 : i32
      %dma_start3A_148 = tpu.memref_slice %arg2[%dma_start3A_146, %dma_start3A_147] : memref<8192x8192xf32, #tpu.memory_space<hbm>> -> memref<8192x8192xf32, #tpu.memory_space<hbm>>
      tpu.enqueue_indirect_dma source(%dma_start3A_148 : memref<8192x8192xf32, #tpu.memory_space<hbm>>) target(%arg13 : memref<2x8192xf32, #tpu.memory_space<vmem>>) offsets(%dma_start3A_145 : memref<2xi32, #tpu.memory_space<vmem>>) semaphore(%arg19 : memref<!tpu.dma_semaphore, #tpu.memory_space<semaphore_mem>>)
      %mul3A_149 = arith.constant 2 : i32
      %mul3A_150 = arith.muli %add3A_129, %mul3A_149 : i32
      %add3A_151 = arith.constant 0 : i32
      %add3A_152 = arith.addi %mul3A_150, %add3A_151 : i32
      %broadcast_in_dim3A_153 = arith.constant 0.000000e+00 : f32
      %broadcast_in_dim3A_154 = vector.broadcast %broadcast_in_dim3A_153 : f32 to vector<16xf32>
      %scan3A_155 = arith.constant 0 : i32
      %scan3A_156 = arith.constant 512 : i32
      %scan3A_157 = arith.addi %scan3A_155, %scan3A_156 : i32
      %scan3A_158 = arith.constant 8 : i32
      %scan3A_159 = scf.for %scan3A_392 = %scan3A_155 to %scan3A_157 step %scan3A_158 iter_args(%scan3A_393 = %broadcast_in_dim3A_154) -> (vector<16xf32>)  : i32 {
        %mul3A_394 = arith.constant 16 : i32
        %mul3A_395 = arith.muli %scan3A_392, %mul3A_394 : i32
        %get3A = arith.constant 0 : i32
        %get3A_396 = arith.index_cast %get3A : i32 to index
        %get3A_397 = arith.index_cast %mul3A_395 : i32 to index
        %get3A_398 = tpu.vector_load %arg11[%get3A_396, %get3A_397] {strides = array<i32>} : memref<2x8192xf32, #tpu.memory_space<vmem>>, vector<16xf32>,
        %exp3A = math.exp %get3A_398 : vector<16xf32>
        %add3A_399 = arith.addf %scan3A_393, %exp3A : vector<16xf32>
        %scan3A_400 = arith.constant 1 : i32
        %scan3A_401 = arith.addi %scan3A_392, %scan3A_400 : i32
        %mul3A_402 = arith.constant 16 : i32
        %mul3A_403 = arith.muli %scan3A_401, %mul3A_402 : i32
        %get3A_404 = arith.constant 0 : i32
        %get3A_405 = arith.index_cast %get3A_404 : i32 to index
        %get3A_406 = arith.index_cast %mul3A_403 : i32 to index
        %get3A_407 = tpu.vector_load %arg11[%get3A_405, %get3A_406] {strides = array<i32>} : memref<2x8192xf32, #tpu.memory_space<vmem>>, vector<16xf32>,
        %exp3A_408 = math.exp %get3A_407 : vector<16xf32>
        %add3A_409 = arith.addf %add3A_399, %exp3A_408 : vector<16xf32>
        %scan3A_410 = arith.constant 2 : i32
        %scan3A_411 = arith.addi %scan3A_392, %scan3A_410 : i32
        %mul3A_412 = arith.constant 16 : i32
        %mul3A_413 = arith.muli %scan3A_411, %mul3A_412 : i32
        %get3A_414 = arith.constant 0 : i32
        %get3A_415 = arith.index_cast %get3A_414 : i32 to index
        %get3A_416 = arith.index_cast %mul3A_413 : i32 to index
        %get3A_417 = tpu.vector_load %arg11[%get3A_415, %get3A_416] {strides = array<i32>} : memref<2x8192xf32, #tpu.memory_space<vmem>>, vector<16xf32>,
        %exp3A_418 = math.exp %get3A_417 : vector<16xf32>
        %add3A_419 = arith.addf %add3A_409, %exp3A_418 : vector<16xf32>
        %scan3A_420 = arith.constant 3 : i32
        %scan3A_421 = arith.addi %scan3A_392, %scan3A_420 : i32
        %mul3A_422 = arith.constant 16 : i32
        %mul3A_423 = arith.muli %scan3A_421, %mul3A_422 : i32
        %get3A_424 = arith.constant 0 : i32
        %get3A_425 = arith.index_cast %get3A_424 : i32 to index
        %get3A_426 = arith.index_cast %mul3A_423 : i32 to index
        %get3A_427 = tpu.vector_load %arg11[%get3A_425, %get3A_426] {strides = array<i32>} : memref<2x8192xf32, #tpu.memory_space<vmem>>, vector<16xf32>,
        %exp3A_428 = math.exp %get3A_427 : vector<16xf32>
        %add3A_429 = arith.addf %add3A_419, %exp3A_428 : vector<16xf32>
        %scan3A_430 = arith.constant 4 : i32
        %scan3A_431 = arith.addi %scan3A_392, %scan3A_430 : i32
        %mul3A_432 = arith.constant 16 : i32
        %mul3A_433 = arith.muli %scan3A_431, %mul3A_432 : i32
        %get3A_434 = arith.constant 0 : i32
        %get3A_435 = arith.index_cast %get3A_434 : i32 to index
        %get3A_436 = arith.index_cast %mul3A_433 : i32 to index
        %get3A_437 = tpu.vector_load %arg11[%get3A_435, %get3A_436] {strides = array<i32>} : memref<2x8192xf32, #tpu.memory_space<vmem>>, vector<16xf32>,
        %exp3A_438 = math.exp %get3A_437 : vector<16xf32>
        %add3A_439 = arith.addf %add3A_429, %exp3A_438 : vector<16xf32>
        %scan3A_440 = arith.constant 5 : i32
        %scan3A_441 = arith.addi %scan3A_392, %scan3A_440 : i32
        %mul3A_442 = arith.constant 16 : i32
        %mul3A_443 = arith.muli %scan3A_441, %mul3A_442 : i32
        %get3A_444 = arith.constant 0 : i32
        %get3A_445 = arith.index_cast %get3A_444 : i32 to index
        %get3A_446 = arith.index_cast %mul3A_443 : i32 to index
        %get3A_447 = tpu.vector_load %arg11[%get3A_445, %get3A_446] {strides = array<i32>} : memref<2x8192xf32, #tpu.memory_space<vmem>>, vector<16xf32>,
        %exp3A_448 = math.exp %get3A_447 : vector<16xf32>
        %add3A_449 = arith.addf %add3A_439, %exp3A_448 : vector<16xf32>
        %scan3A_450 = arith.constant 6 : i32
        %scan3A_451 = arith.addi %scan3A_392, %scan3A_450 : i32
        %mul3A_452 = arith.constant 16 : i32
        %mul3A_453 = arith.muli %scan3A_451, %mul3A_452 : i32
        %get3A_454 = arith.constant 0 : i32
        %get3A_455 = arith.index_cast %get3A_454 : i32 to index
        %get3A_456 = arith.index_cast %mul3A_453 : i32 to index
        %get3A_457 = tpu.vector_load %arg11[%get3A_455, %get3A_456] {strides = array<i32>} : memref<2x8192xf32, #tpu.memory_space<vmem>>, vector<16xf32>,
        %exp3A_458 = math.exp %get3A_457 : vector<16xf32>
        %add3A_459 = arith.addf %add3A_449, %exp3A_458 : vector<16xf32>
        %scan3A_460 = arith.constant 7 : i32
        %scan3A_461 = arith.addi %scan3A_392, %scan3A_460 : i32
        %mul3A_462 = arith.constant 16 : i32
        %mul3A_463 = arith.muli %scan3A_461, %mul3A_462 : i32
        %get3A_464 = arith.constant 0 : i32
        %get3A_465 = arith.index_cast %get3A_464 : i32 to index
        %get3A_466 = arith.index_cast %mul3A_463 : i32 to index
        %get3A_467 = tpu.vector_load %arg11[%get3A_465, %get3A_466] {strides = array<i32>} : memref<2x8192xf32, #tpu.memory_space<vmem>>, vector<16xf32>,
        %exp3A_468 = math.exp %get3A_467 : vector<16xf32>
        %add3A_469 = arith.addf %add3A_459, %exp3A_468 : vector<16xf32>
        scf.yield %add3A_469 : vector<16xf32>
      }
      %scan3A_160 = arith.constant 512 : i32
      %reduce_sum3A_161 = arith.constant true
      %reduce_sum3A_162 = vector.broadcast %reduce_sum3A_161 : i1 to vector<16xi1>
      %reduce_sum3A_163 = tpu.scan <sum>, %scan3A_159 masked %reduce_sum3A_162 : vector<16xf32>, vector<16xi1> -> vector<16xf32>
      %reduce_sum3A_164 = vector.extract %reduce_sum3A_163[15] : f32 from vector<16xf32>
      %broadcast_in_dim3A_165 = vector.broadcast %add3A_152 : i32 to vector<16xi32>
      %gather3A_166 = tpu.vector_load_idx %arg9[%broadcast_in_dim3A_165] : memref<256xi32, #tpu.memory_space<vmem>>[vector<16xi32>], vector<16xi32>,
      %broadcast_in_dim3A_167 = arith.constant 0 : i32
      %broadcast_in_dim3A_168 = vector.broadcast %broadcast_in_dim3A_167 : i32 to vector<16xi32>
      %gather3A_169 = tpu.vector_load_idx %arg11[%broadcast_in_dim3A_168, %gather3A_166] : memref<2x8192xf32, #tpu.memory_space<vmem>>[vector<16xi32>, vector<16xi32>], vector<16xf32>,
      %reduce_max3A_170 = arith.constant true
      %reduce_max3A_171 = vector.broadcast %reduce_max3A_170 : i1 to vector<16xi1>
      %reduce_max3A_172 = tpu.scan <max>, %gather3A_169 masked %reduce_max3A_171 : vector<16xf32>, vector<16xi1> -> vector<16xf32>
      %reduce_max3A_173 = vector.extract %reduce_max3A_172[15] : f32 from vector<16xf32>
      %broadcast_in_dim3A_174 = vector.broadcast %add3A_152 : i32 to vector<16xi32>
      %iota3A_175 = tpu.iota {dimensions = array<i32: 0>} : vector<16xi32>
      %eq3A_176 = arith.constant 0 : i32
      %eq3A_177 = vector.broadcast %eq3A_176 : i32 to vector<16xi32>
      %eq3A_178 = arith.cmpi eq, %iota3A_175, %eq3A_177 : vector<16xi32>
      %broadcast_in_dim3A_179 = vector.broadcast %reduce_sum3A_164 : f32 to vector<16xf32>
      tpu.vector_store_idx %arg14[%broadcast_in_dim3A_174], %broadcast_in_dim3A_179 masked %eq3A_178 : memref<256xf32, #tpu.memory_space<vmem>>[vector<16xi32>], vector<16xf32>, vector<16xi1>
      %broadcast_in_dim3A_180 = vector.broadcast %reduce_max3A_173 : f32 to vector<16xf32>
      tpu.vector_store_idx %arg15[%broadcast_in_dim3A_174], %broadcast_in_dim3A_180 masked %eq3A_178 : memref<256xf32, #tpu.memory_space<vmem>>[vector<16xi32>], vector<16xf32>, vector<16xi1>
      %mul3A_181 = arith.constant 2 : i32
      %mul3A_182 = arith.muli %add3A_129, %mul3A_181 : i32
      %add3A_183 = arith.constant 1 : i32
      %add3A_184 = arith.addi %mul3A_182, %add3A_183 : i32
      %broadcast_in_dim3A_185 = arith.constant 0.000000e+00 : f32
      %broadcast_in_dim3A_186 = vector.broadcast %broadcast_in_dim3A_185 : f32 to vector<16xf32>
      %scan3A_187 = arith.constant 0 : i32
      %scan3A_188 = arith.constant 512 : i32
      %scan3A_189 = arith.addi %scan3A_187, %scan3A_188 : i32
      %scan3A_190 = arith.constant 8 : i32
      %scan3A_191 = scf.for %scan3A_392 = %scan3A_187 to %scan3A_189 step %scan3A_190 iter_args(%scan3A_393 = %broadcast_in_dim3A_186) -> (vector<16xf32>)  : i32 {
        %mul3A_394 = arith.constant 16 : i32
        %mul3A_395 = arith.muli %scan3A_392, %mul3A_394 : i32
        %get3A = arith.constant 1 : i32
        %get3A_396 = arith.index_cast %get3A : i32 to index
        %get3A_397 = arith.index_cast %mul3A_395 : i32 to index
        %get3A_398 = tpu.vector_load %arg11[%get3A_396, %get3A_397] {strides = array<i32>} : memref<2x8192xf32, #tpu.memory_space<vmem>>, vector<16xf32>,
        %exp3A = math.exp %get3A_398 : vector<16xf32>
        %add3A_399 = arith.addf %scan3A_393, %exp3A : vector<16xf32>
        %scan3A_400 = arith.constant 1 : i32
        %scan3A_401 = arith.addi %scan3A_392, %scan3A_400 : i32
        %mul3A_402 = arith.constant 16 : i32
        %mul3A_403 = arith.muli %scan3A_401, %mul3A_402 : i32
        %get3A_404 = arith.constant 1 : i32
        %get3A_405 = arith.index_cast %get3A_404 : i32 to index
        %get3A_406 = arith.index_cast %mul3A_403 : i32 to index
        %get3A_407 = tpu.vector_load %arg11[%get3A_405, %get3A_406] {strides = array<i32>} : memref<2x8192xf32, #tpu.memory_space<vmem>>, vector<16xf32>,
        %exp3A_408 = math.exp %get3A_407 : vector<16xf32>
        %add3A_409 = arith.addf %add3A_399, %exp3A_408 : vector<16xf32>
        %scan3A_410 = arith.constant 2 : i32
        %scan3A_411 = arith.addi %scan3A_392, %scan3A_410 : i32
        %mul3A_412 = arith.constant 16 : i32
        %mul3A_413 = arith.muli %scan3A_411, %mul3A_412 : i32
        %get3A_414 = arith.constant 1 : i32
        %get3A_415 = arith.index_cast %get3A_414 : i32 to index
        %get3A_416 = arith.index_cast %mul3A_413 : i32 to index
        %get3A_417 = tpu.vector_load %arg11[%get3A_415, %get3A_416] {strides = array<i32>} : memref<2x8192xf32, #tpu.memory_space<vmem>>, vector<16xf32>,
        %exp3A_418 = math.exp %get3A_417 : vector<16xf32>
        %add3A_419 = arith.addf %add3A_409, %exp3A_418 : vector<16xf32>
        %scan3A_420 = arith.constant 3 : i32
        %scan3A_421 = arith.addi %scan3A_392, %scan3A_420 : i32
        %mul3A_422 = arith.constant 16 : i32
        %mul3A_423 = arith.muli %scan3A_421, %mul3A_422 : i32
        %get3A_424 = arith.constant 1 : i32
        %get3A_425 = arith.index_cast %get3A_424 : i32 to index
        %get3A_426 = arith.index_cast %mul3A_423 : i32 to index
        %get3A_427 = tpu.vector_load %arg11[%get3A_425, %get3A_426] {strides = array<i32>} : memref<2x8192xf32, #tpu.memory_space<vmem>>, vector<16xf32>,
        %exp3A_428 = math.exp %get3A_427 : vector<16xf32>
        %add3A_429 = arith.addf %add3A_419, %exp3A_428 : vector<16xf32>
        %scan3A_430 = arith.constant 4 : i32
        %scan3A_431 = arith.addi %scan3A_392, %scan3A_430 : i32
        %mul3A_432 = arith.constant 16 : i32
        %mul3A_433 = arith.muli %scan3A_431, %mul3A_432 : i32
        %get3A_434 = arith.constant 1 : i32
        %get3A_435 = arith.index_cast %get3A_434 : i32 to index
        %get3A_436 = arith.index_cast %mul3A_433 : i32 to index
        %get3A_437 = tpu.vector_load %arg11[%get3A_435, %get3A_436] {strides = array<i32>} : memref<2x8192xf32, #tpu.memory_space<vmem>>, vector<16xf32>,
        %exp3A_438 = math.exp %get3A_437 : vector<16xf32>
        %add3A_439 = arith.addf %add3A_429, %exp3A_438 : vector<16xf32>
        %scan3A_440 = arith.constant 5 : i32
        %scan3A_441 = arith.addi %scan3A_392, %scan3A_440 : i32
        %mul3A_442 = arith.constant 16 : i32
        %mul3A_443 = arith.muli %scan3A_441, %mul3A_442 : i32
        %get3A_444 = arith.constant 1 : i32
        %get3A_445 = arith.index_cast %get3A_444 : i32 to index
        %get3A_446 = arith.index_cast %mul3A_443 : i32 to index
        %get3A_447 = tpu.vector_load %arg11[%get3A_445, %get3A_446] {strides = array<i32>} : memref<2x8192xf32, #tpu.memory_space<vmem>>, vector<16xf32>,
        %exp3A_448 = math.exp %get3A_447 : vector<16xf32>
        %add3A_449 = arith.addf %add3A_439, %exp3A_448 : vector<16xf32>
        %scan3A_450 = arith.constant 6 : i32
        %scan3A_451 = arith.addi %scan3A_392, %scan3A_450 : i32
        %mul3A_452 = arith.constant 16 : i32
        %mul3A_453 = arith.muli %scan3A_451, %mul3A_452 : i32
        %get3A_454 = arith.constant 1 : i32
        %get3A_455 = arith.index_cast %get3A_454 : i32 to index
        %get3A_456 = arith.index_cast %mul3A_453 : i32 to index
        %get3A_457 = tpu.vector_load %arg11[%get3A_455, %get3A_456] {strides = array<i32>} : memref<2x8192xf32, #tpu.memory_space<vmem>>, vector<16xf32>,
        %exp3A_458 = math.exp %get3A_457 : vector<16xf32>
        %add3A_459 = arith.addf %add3A_449, %exp3A_458 : vector<16xf32>
        %scan3A_460 = arith.constant 7 : i32
        %scan3A_461 = arith.addi %scan3A_392, %scan3A_460 : i32
        %mul3A_462 = arith.constant 16 : i32
        %mul3A_463 = arith.muli %scan3A_461, %mul3A_462 : i32
        %get3A_464 = arith.constant 1 : i32
        %get3A_465 = arith.index_cast %get3A_464 : i32 to index
        %get3A_466 = arith.index_cast %mul3A_463 : i32 to index
        %get3A_467 = tpu.vector_load %arg11[%get3A_465, %get3A_466] {strides = array<i32>} : memref<2x8192xf32, #tpu.memory_space<vmem>>, vector<16xf32>,
        %exp3A_468 = math.exp %get3A_467 : vector<16xf32>
        %add3A_469 = arith.addf %add3A_459, %exp3A_468 : vector<16xf32>
        scf.yield %add3A_469 : vector<16xf32>
      }
      %scan3A_192 = arith.constant 512 : i32
      %reduce_sum3A_193 = arith.constant true
      %reduce_sum3A_194 = vector.broadcast %reduce_sum3A_193 : i1 to vector<16xi1>
      %reduce_sum3A_195 = tpu.scan <sum>, %scan3A_191 masked %reduce_sum3A_194 : vector<16xf32>, vector<16xi1> -> vector<16xf32>
      %reduce_sum3A_196 = vector.extract %reduce_sum3A_195[15] : f32 from vector<16xf32>
      %broadcast_in_dim3A_197 = vector.broadcast %add3A_184 : i32 to vector<16xi32>
      %gather3A_198 = tpu.vector_load_idx %arg9[%broadcast_in_dim3A_197] : memref<256xi32, #tpu.memory_space<vmem>>[vector<16xi32>], vector<16xi32>,
      %broadcast_in_dim3A_199 = arith.constant 1 : i32
      %broadcast_in_dim3A_200 = vector.broadcast %broadcast_in_dim3A_199 : i32 to vector<16xi32>
      %gather3A_201 = tpu.vector_load_idx %arg11[%broadcast_in_dim3A_200, %gather3A_198] : memref<2x8192xf32, #tpu.memory_space<vmem>>[vector<16xi32>, vector<16xi32>], vector<16xf32>,
      %reduce_max3A_202 = arith.constant true
      %reduce_max3A_203 = vector.broadcast %reduce_max3A_202 : i1 to vector<16xi1>
      %reduce_max3A_204 = tpu.scan <max>, %gather3A_201 masked %reduce_max3A_203 : vector<16xf32>, vector<16xi1> -> vector<16xf32>
      %reduce_max3A_205 = vector.extract %reduce_max3A_204[15] : f32 from vector<16xf32>
      %broadcast_in_dim3A_206 = vector.broadcast %add3A_184 : i32 to vector<16xi32>
      %iota3A_207 = tpu.iota {dimensions = array<i32: 0>} : vector<16xi32>
      %eq3A_208 = arith.constant 0 : i32
      %eq3A_209 = vector.broadcast %eq3A_208 : i32 to vector<16xi32>
      %eq3A_210 = arith.cmpi eq, %iota3A_207, %eq3A_209 : vector<16xi32>
      %broadcast_in_dim3A_211 = vector.broadcast %reduce_sum3A_196 : f32 to vector<16xf32>
      tpu.vector_store_idx %arg14[%broadcast_in_dim3A_206], %broadcast_in_dim3A_211 masked %eq3A_210 : memref<256xf32, #tpu.memory_space<vmem>>[vector<16xi32>], vector<16xf32>, vector<16xi1>
      %broadcast_in_dim3A_212 = vector.broadcast %reduce_max3A_205 : f32 to vector<16xf32>
      tpu.vector_store_idx %arg15[%broadcast_in_dim3A_206], %broadcast_in_dim3A_212 masked %eq3A_210 : memref<256xf32, #tpu.memory_space<vmem>>[vector<16xi32>], vector<16xf32>, vector<16xi1>
      %mul3A_213 = arith.constant 2 : i32
      %mul3A_214 = arith.muli %add3A_129, %mul3A_213 : i32
      %add3A_215 = arith.addi %mul3A_2, %mul3A_214 : i32
      %dma_start3A_216 = arith.constant 0 : i32
      %dma_start3A_217 = tpu.memref_slice %arg5[%add3A_215, %dma_start3A_216] : memref<8192x8192xf32, #tpu.memory_space<hbm>> -> memref<2x8192xf32, #tpu.memory_space<hbm>>
      %dma_start3A_218 = arith.constant 0 : i32
      %dma_start3A_219 = tpu.memref_slice %arg5[%add3A_215, %dma_start3A_218] : memref<8192x8192xf32, #tpu.memory_space<hbm>> -> memref<2x8192xf32, #tpu.memory_space<hbm>>
      tpu.enqueue_dma source(%arg11 : memref<2x8192xf32, #tpu.memory_space<vmem>>) target(%dma_start3A_219 : memref<2x8192xf32, #tpu.memory_space<hbm>>) target_semaphore(%arg21 : memref<!tpu.dma_semaphore, #tpu.memory_space<semaphore_mem>>)
      %mul3A_220 = arith.constant 4 : i32
      %mul3A_221 = arith.muli %scan3A_39, %mul3A_220 : i32
      %add3A_222 = arith.constant 2 : i32
      %add3A_223 = arith.addi %mul3A_221, %add3A_222 : i32
      %dma_wait3A_224 = arith.constant 0 : i32
      %dma_wait3A_225 = tpu.memref_slice %arg8[%add3A_223, %dma_wait3A_224] : memref<128x2xi32, #tpu.memory_space<vmem>> -> memref<1x2xi32, #tpu.memory_space<vmem>>
      %dma_wait3A_226 = tpu.memref_squeeze %dma_wait3A_225 : memref<1x2xi32, #tpu.memory_space<vmem>> -> memref<2xi32, #tpu.memory_space<vmem>>
      %dma_wait3A_227 = arith.constant 0 : i32
      %dma_wait3A_228 = arith.constant 0 : i32
      %dma_wait3A_229 = tpu.memref_slice %arg2[%dma_wait3A_227, %dma_wait3A_228] : memref<8192x8192xf32, #tpu.memory_space<hbm>> -> memref<8192x8192xf32, #tpu.memory_space<hbm>>
      tpu.wait_indirect_dma semaphore(%arg18 : memref<!tpu.dma_semaphore, #tpu.memory_space<semaphore_mem>>) src(%dma_wait3A_229 : memref<8192x8192xf32, #tpu.memory_space<hbm>>) dst(%arg12 : memref<2x8192xf32, #tpu.memory_space<vmem>>)
      %lt3A = arith.constant 31 : i32
      %lt3A_230 = arith.cmpi slt, %scan3A_39, %lt3A : i32
      %convert_element_type3A_231 = arith.extui %lt3A_230 : i1 to i32
      %cond3A_232 = arith.constant 0 : i32
      %cond3A_233 = arith.cmpi ne, %convert_element_type3A_231, %cond3A_232 : i32
      scf.if %cond3A_233 {
        %dma_wait3A_392 = arith.constant 0 : i32
        %dma_wait3A_393 = tpu.memref_slice %arg5[%mul3A_2, %dma_wait3A_392] : memref<8192x8192xf32, #tpu.memory_space<hbm>> -> memref<2x8192xf32, #tpu.memory_space<hbm>>
        %dma_wait3A_394 = arith.constant 0 : i32
        %dma_wait3A_395 = tpu.memref_slice %arg5[%mul3A_2, %dma_wait3A_394] : memref<8192x8192xf32, #tpu.memory_space<hbm>> -> memref<2x8192xf32, #tpu.memory_space<hbm>>
        tpu.wait_dma2 semaphore(%arg20 : memref<!tpu.dma_semaphore, #tpu.memory_space<semaphore_mem>>) src(%arg10 : memref<2x8192xf32, #tpu.memory_space<vmem>>) dst(%dma_wait3A_395 : memref<2x8192xf32, #tpu.memory_space<hbm>>)
        %add3A_396 = arith.constant 2 : i32
        %add3A_397 = arith.addi %add3A_223, %add3A_396 : i32
        %dma_start3A_398 = arith.constant 0 : i32
        %dma_start3A_399 = tpu.memref_slice %arg8[%add3A_397, %dma_start3A_398] : memref<128x2xi32, #tpu.memory_space<vmem>> -> memref<1x2xi32, #tpu.memory_space<vmem>>
        %dma_start3A_400 = tpu.memref_squeeze %dma_start3A_399 : memref<1x2xi32, #tpu.memory_space<vmem>> -> memref<2xi32, #tpu.memory_space<vmem>>
        %dma_start3A_401 = arith.constant 0 : i32
        %dma_start3A_402 = arith.constant 0 : i32
        %dma_start3A_403 = tpu.memref_slice %arg2[%dma_start3A_401, %dma_start3A_402] : memref<8192x8192xf32, #tpu.memory_space<hbm>> -> memref<8192x8192xf32, #tpu.memory_space<hbm>>
        tpu.enqueue_indirect_dma source(%dma_start3A_403 : memref<8192x8192xf32, #tpu.memory_space<hbm>>) target(%arg10 : memref<2x8192xf32, #tpu.memory_space<vmem>>) offsets(%dma_start3A_400 : memref<2xi32, #tpu.memory_space<vmem>>) semaphore(%arg16 : memref<!tpu.dma_semaphore, #tpu.memory_space<semaphore_mem>>)
      } else {
      }
      %mul3A_234 = arith.constant 2 : i32
      %mul3A_235 = arith.muli %add3A_223, %mul3A_234 : i32
      %add3A_236 = arith.constant 0 : i32
      %add3A_237 = arith.addi %mul3A_235, %add3A_236 : i32
      %broadcast_in_dim3A_238 = arith.constant 0.000000e+00 : f32
      %broadcast_in_dim3A_239 = vector.broadcast %broadcast_in_dim3A_238 : f32 to vector<16xf32>
      %scan3A_240 = arith.constant 0 : i32
      %scan3A_241 = arith.constant 512 : i32
      %scan3A_242 = arith.addi %scan3A_240, %scan3A_241 : i32
      %scan3A_243 = arith.constant 8 : i32
      %scan3A_244 = scf.for %scan3A_392 = %scan3A_240 to %scan3A_242 step %scan3A_243 iter_args(%scan3A_393 = %broadcast_in_dim3A_239) -> (vector<16xf32>)  : i32 {
        %mul3A_394 = arith.constant 16 : i32
        %mul3A_395 = arith.muli %scan3A_392, %mul3A_394 : i32
        %get3A = arith.constant 0 : i32
        %get3A_396 = arith.index_cast %get3A : i32 to index
        %get3A_397 = arith.index_cast %mul3A_395 : i32 to index
        %get3A_398 = tpu.vector_load %arg12[%get3A_396, %get3A_397] {strides = array<i32>} : memref<2x8192xf32, #tpu.memory_space<vmem>>, vector<16xf32>,
        %exp3A = math.exp %get3A_398 : vector<16xf32>
        %add3A_399 = arith.addf %scan3A_393, %exp3A : vector<16xf32>
        %scan3A_400 = arith.constant 1 : i32
        %scan3A_401 = arith.addi %scan3A_392, %scan3A_400 : i32
        %mul3A_402 = arith.constant 16 : i32
        %mul3A_403 = arith.muli %scan3A_401, %mul3A_402 : i32
        %get3A_404 = arith.constant 0 : i32
        %get3A_405 = arith.index_cast %get3A_404 : i32 to index
        %get3A_406 = arith.index_cast %mul3A_403 : i32 to index
        %get3A_407 = tpu.vector_load %arg12[%get3A_405, %get3A_406] {strides = array<i32>} : memref<2x8192xf32, #tpu.memory_space<vmem>>, vector<16xf32>,
        %exp3A_408 = math.exp %get3A_407 : vector<16xf32>
        %add3A_409 = arith.addf %add3A_399, %exp3A_408 : vector<16xf32>
        %scan3A_410 = arith.constant 2 : i32
        %scan3A_411 = arith.addi %scan3A_392, %scan3A_410 : i32
        %mul3A_412 = arith.constant 16 : i32
        %mul3A_413 = arith.muli %scan3A_411, %mul3A_412 : i32
        %get3A_414 = arith.constant 0 : i32
        %get3A_415 = arith.index_cast %get3A_414 : i32 to index
        %get3A_416 = arith.index_cast %mul3A_413 : i32 to index
        %get3A_417 = tpu.vector_load %arg12[%get3A_415, %get3A_416] {strides = array<i32>} : memref<2x8192xf32, #tpu.memory_space<vmem>>, vector<16xf32>,
        %exp3A_418 = math.exp %get3A_417 : vector<16xf32>
        %add3A_419 = arith.addf %add3A_409, %exp3A_418 : vector<16xf32>
        %scan3A_420 = arith.constant 3 : i32
        %scan3A_421 = arith.addi %scan3A_392, %scan3A_420 : i32
        %mul3A_422 = arith.constant 16 : i32
        %mul3A_423 = arith.muli %scan3A_421, %mul3A_422 : i32
        %get3A_424 = arith.constant 0 : i32
        %get3A_425 = arith.index_cast %get3A_424 : i32 to index
        %get3A_426 = arith.index_cast %mul3A_423 : i32 to index
        %get3A_427 = tpu.vector_load %arg12[%get3A_425, %get3A_426] {strides = array<i32>} : memref<2x8192xf32, #tpu.memory_space<vmem>>, vector<16xf32>,
        %exp3A_428 = math.exp %get3A_427 : vector<16xf32>
        %add3A_429 = arith.addf %add3A_419, %exp3A_428 : vector<16xf32>
        %scan3A_430 = arith.constant 4 : i32
        %scan3A_431 = arith.addi %scan3A_392, %scan3A_430 : i32
        %mul3A_432 = arith.constant 16 : i32
        %mul3A_433 = arith.muli %scan3A_431, %mul3A_432 : i32
        %get3A_434 = arith.constant 0 : i32
        %get3A_435 = arith.index_cast %get3A_434 : i32 to index
        %get3A_436 = arith.index_cast %mul3A_433 : i32 to index
        %get3A_437 = tpu.vector_load %arg12[%get3A_435, %get3A_436] {strides = array<i32>} : memref<2x8192xf32, #tpu.memory_space<vmem>>, vector<16xf32>,
        %exp3A_438 = math.exp %get3A_437 : vector<16xf32>
        %add3A_439 = arith.addf %add3A_429, %exp3A_438 : vector<16xf32>
        %scan3A_440 = arith.constant 5 : i32
        %scan3A_441 = arith.addi %scan3A_392, %scan3A_440 : i32
        %mul3A_442 = arith.constant 16 : i32
        %mul3A_443 = arith.muli %scan3A_441, %mul3A_442 : i32
        %get3A_444 = arith.constant 0 : i32
        %get3A_445 = arith.index_cast %get3A_444 : i32 to index
        %get3A_446 = arith.index_cast %mul3A_443 : i32 to index
        %get3A_447 = tpu.vector_load %arg12[%get3A_445, %get3A_446] {strides = array<i32>} : memref<2x8192xf32, #tpu.memory_space<vmem>>, vector<16xf32>,
        %exp3A_448 = math.exp %get3A_447 : vector<16xf32>
        %add3A_449 = arith.addf %add3A_439, %exp3A_448 : vector<16xf32>
        %scan3A_450 = arith.constant 6 : i32
        %scan3A_451 = arith.addi %scan3A_392, %scan3A_450 : i32
        %mul3A_452 = arith.constant 16 : i32
        %mul3A_453 = arith.muli %scan3A_451, %mul3A_452 : i32
        %get3A_454 = arith.constant 0 : i32
        %get3A_455 = arith.index_cast %get3A_454 : i32 to index
        %get3A_456 = arith.index_cast %mul3A_453 : i32 to index
        %get3A_457 = tpu.vector_load %arg12[%get3A_455, %get3A_456] {strides = array<i32>} : memref<2x8192xf32, #tpu.memory_space<vmem>>, vector<16xf32>,
        %exp3A_458 = math.exp %get3A_457 : vector<16xf32>
        %add3A_459 = arith.addf %add3A_449, %exp3A_458 : vector<16xf32>
        %scan3A_460 = arith.constant 7 : i32
        %scan3A_461 = arith.addi %scan3A_392, %scan3A_460 : i32
        %mul3A_462 = arith.constant 16 : i32
        %mul3A_463 = arith.muli %scan3A_461, %mul3A_462 : i32
        %get3A_464 = arith.constant 0 : i32
        %get3A_465 = arith.index_cast %get3A_464 : i32 to index
        %get3A_466 = arith.index_cast %mul3A_463 : i32 to index
        %get3A_467 = tpu.vector_load %arg12[%get3A_465, %get3A_466] {strides = array<i32>} : memref<2x8192xf32, #tpu.memory_space<vmem>>, vector<16xf32>,
        %exp3A_468 = math.exp %get3A_467 : vector<16xf32>
        %add3A_469 = arith.addf %add3A_459, %exp3A_468 : vector<16xf32>
        scf.yield %add3A_469 : vector<16xf32>
      }
      %scan3A_245 = arith.constant 512 : i32
      %reduce_sum3A_246 = arith.constant true
      %reduce_sum3A_247 = vector.broadcast %reduce_sum3A_246 : i1 to vector<16xi1>
      %reduce_sum3A_248 = tpu.scan <sum>, %scan3A_244 masked %reduce_sum3A_247 : vector<16xf32>, vector<16xi1> -> vector<16xf32>
      %reduce_sum3A_249 = vector.extract %reduce_sum3A_248[15] : f32 from vector<16xf32>
      %broadcast_in_dim3A_250 = vector.broadcast %add3A_237 : i32 to vector<16xi32>
      %gather3A_251 = tpu.vector_load_idx %arg9[%broadcast_in_dim3A_250] : memref<256xi32, #tpu.memory_space<vmem>>[vector<16xi32>], vector<16xi32>,
      %broadcast_in_dim3A_252 = arith.constant 0 : i32
      %broadcast_in_dim3A_253 = vector.broadcast %broadcast_in_dim3A_252 : i32 to vector<16xi32>
      %gather3A_254 = tpu.vector_load_idx %arg12[%broadcast_in_dim3A_253, %gather3A_251] : memref<2x8192xf32, #tpu.memory_space<vmem>>[vector<16xi32>, vector<16xi32>], vector<16xf32>,
      %reduce_max3A_255 = arith.constant true
      %reduce_max3A_256 = vector.broadcast %reduce_max3A_255 : i1 to vector<16xi1>
      %reduce_max3A_257 = tpu.scan <max>, %gather3A_254 masked %reduce_max3A_256 : vector<16xf32>, vector<16xi1> -> vector<16xf32>
      %reduce_max3A_258 = vector.extract %reduce_max3A_257[15] : f32 from vector<16xf32>
      %broadcast_in_dim3A_259 = vector.broadcast %add3A_237 : i32 to vector<16xi32>
      %iota3A_260 = tpu.iota {dimensions = array<i32: 0>} : vector<16xi32>
      %eq3A_261 = arith.constant 0 : i32
      %eq3A_262 = vector.broadcast %eq3A_261 : i32 to vector<16xi32>
      %eq3A_263 = arith.cmpi eq, %iota3A_260, %eq3A_262 : vector<16xi32>
      %broadcast_in_dim3A_264 = vector.broadcast %reduce_sum3A_249 : f32 to vector<16xf32>
      tpu.vector_store_idx %arg14[%broadcast_in_dim3A_259], %broadcast_in_dim3A_264 masked %eq3A_263 : memref<256xf32, #tpu.memory_space<vmem>>[vector<16xi32>], vector<16xf32>, vector<16xi1>
      %broadcast_in_dim3A_265 = vector.broadcast %reduce_max3A_258 : f32 to vector<16xf32>
      tpu.vector_store_idx %arg15[%broadcast_in_dim3A_259], %broadcast_in_dim3A_265 masked %eq3A_263 : memref<256xf32, #tpu.memory_space<vmem>>[vector<16xi32>], vector<16xf32>, vector<16xi1>
      %mul3A_266 = arith.constant 2 : i32
      %mul3A_267 = arith.muli %add3A_223, %mul3A_266 : i32
      %add3A_268 = arith.constant 1 : i32
      %add3A_269 = arith.addi %mul3A_267, %add3A_268 : i32
      %broadcast_in_dim3A_270 = arith.constant 0.000000e+00 : f32
      %broadcast_in_dim3A_271 = vector.broadcast %broadcast_in_dim3A_270 : f32 to vector<16xf32>
      %scan3A_272 = arith.constant 0 : i32
      %scan3A_273 = arith.constant 512 : i32
      %scan3A_274 = arith.addi %scan3A_272, %scan3A_273 : i32
      %scan3A_275 = arith.constant 8 : i32
      %scan3A_276 = scf.for %scan3A_392 = %scan3A_272 to %scan3A_274 step %scan3A_275 iter_args(%scan3A_393 = %broadcast_in_dim3A_271) -> (vector<16xf32>)  : i32 {
        %mul3A_394 = arith.constant 16 : i32
        %mul3A_395 = arith.muli %scan3A_392, %mul3A_394 : i32
        %get3A = arith.constant 1 : i32
        %get3A_396 = arith.index_cast %get3A : i32 to index
        %get3A_397 = arith.index_cast %mul3A_395 : i32 to index
        %get3A_398 = tpu.vector_load %arg12[%get3A_396, %get3A_397] {strides = array<i32>} : memref<2x8192xf32, #tpu.memory_space<vmem>>, vector<16xf32>,
        %exp3A = math.exp %get3A_398 : vector<16xf32>
        %add3A_399 = arith.addf %scan3A_393, %exp3A : vector<16xf32>
        %scan3A_400 = arith.constant 1 : i32
        %scan3A_401 = arith.addi %scan3A_392, %scan3A_400 : i32
        %mul3A_402 = arith.constant 16 : i32
        %mul3A_403 = arith.muli %scan3A_401, %mul3A_402 : i32
        %get3A_404 = arith.constant 1 : i32
        %get3A_405 = arith.index_cast %get3A_404 : i32 to index
        %get3A_406 = arith.index_cast %mul3A_403 : i32 to index
        %get3A_407 = tpu.vector_load %arg12[%get3A_405, %get3A_406] {strides = array<i32>} : memref<2x8192xf32, #tpu.memory_space<vmem>>, vector<16xf32>,
        %exp3A_408 = math.exp %get3A_407 : vector<16xf32>
        %add3A_409 = arith.addf %add3A_399, %exp3A_408 : vector<16xf32>
        %scan3A_410 = arith.constant 2 : i32
        %scan3A_411 = arith.addi %scan3A_392, %scan3A_410 : i32
        %mul3A_412 = arith.constant 16 : i32
        %mul3A_413 = arith.muli %scan3A_411, %mul3A_412 : i32
        %get3A_414 = arith.constant 1 : i32
        %get3A_415 = arith.index_cast %get3A_414 : i32 to index
        %get3A_416 = arith.index_cast %mul3A_413 : i32 to index
        %get3A_417 = tpu.vector_load %arg12[%get3A_415, %get3A_416] {strides = array<i32>} : memref<2x8192xf32, #tpu.memory_space<vmem>>, vector<16xf32>,
        %exp3A_418 = math.exp %get3A_417 : vector<16xf32>
        %add3A_419 = arith.addf %add3A_409, %exp3A_418 : vector<16xf32>
        %scan3A_420 = arith.constant 3 : i32
        %scan3A_421 = arith.addi %scan3A_392, %scan3A_420 : i32
        %mul3A_422 = arith.constant 16 : i32
        %mul3A_423 = arith.muli %scan3A_421, %mul3A_422 : i32
        %get3A_424 = arith.constant 1 : i32
        %get3A_425 = arith.index_cast %get3A_424 : i32 to index
        %get3A_426 = arith.index_cast %mul3A_423 : i32 to index
        %get3A_427 = tpu.vector_load %arg12[%get3A_425, %get3A_426] {strides = array<i32>} : memref<2x8192xf32, #tpu.memory_space<vmem>>, vector<16xf32>,
        %exp3A_428 = math.exp %get3A_427 : vector<16xf32>
        %add3A_429 = arith.addf %add3A_419, %exp3A_428 : vector<16xf32>
        %scan3A_430 = arith.constant 4 : i32
        %scan3A_431 = arith.addi %scan3A_392, %scan3A_430 : i32
        %mul3A_432 = arith.constant 16 : i32
        %mul3A_433 = arith.muli %scan3A_431, %mul3A_432 : i32
        %get3A_434 = arith.constant 1 : i32
        %get3A_435 = arith.index_cast %get3A_434 : i32 to index
        %get3A_436 = arith.index_cast %mul3A_433 : i32 to index
        %get3A_437 = tpu.vector_load %arg12[%get3A_435, %get3A_436] {strides = array<i32>} : memref<2x8192xf32, #tpu.memory_space<vmem>>, vector<16xf32>,
        %exp3A_438 = math.exp %get3A_437 : vector<16xf32>
        %add3A_439 = arith.addf %add3A_429, %exp3A_438 : vector<16xf32>
        %scan3A_440 = arith.constant 5 : i32
        %scan3A_441 = arith.addi %scan3A_392, %scan3A_440 : i32
        %mul3A_442 = arith.constant 16 : i32
        %mul3A_443 = arith.muli %scan3A_441, %mul3A_442 : i32
        %get3A_444 = arith.constant 1 : i32
        %get3A_445 = arith.index_cast %get3A_444 : i32 to index
        %get3A_446 = arith.index_cast %mul3A_443 : i32 to index
        %get3A_447 = tpu.vector_load %arg12[%get3A_445, %get3A_446] {strides = array<i32>} : memref<2x8192xf32, #tpu.memory_space<vmem>>, vector<16xf32>,
        %exp3A_448 = math.exp %get3A_447 : vector<16xf32>
        %add3A_449 = arith.addf %add3A_439, %exp3A_448 : vector<16xf32>
        %scan3A_450 = arith.constant 6 : i32
        %scan3A_451 = arith.addi %scan3A_392, %scan3A_450 : i32
        %mul3A_452 = arith.constant 16 : i32
        %mul3A_453 = arith.muli %scan3A_451, %mul3A_452 : i32
        %get3A_454 = arith.constant 1 : i32
        %get3A_455 = arith.index_cast %get3A_454 : i32 to index
        %get3A_456 = arith.index_cast %mul3A_453 : i32 to index
        %get3A_457 = tpu.vector_load %arg12[%get3A_455, %get3A_456] {strides = array<i32>} : memref<2x8192xf32, #tpu.memory_space<vmem>>, vector<16xf32>,
        %exp3A_458 = math.exp %get3A_457 : vector<16xf32>
        %add3A_459 = arith.addf %add3A_449, %exp3A_458 : vector<16xf32>
        %scan3A_460 = arith.constant 7 : i32
        %scan3A_461 = arith.addi %scan3A_392, %scan3A_460 : i32
        %mul3A_462 = arith.constant 16 : i32
        %mul3A_463 = arith.muli %scan3A_461, %mul3A_462 : i32
        %get3A_464 = arith.constant 1 : i32
        %get3A_465 = arith.index_cast %get3A_464 : i32 to index
        %get3A_466 = arith.index_cast %mul3A_463 : i32 to index
        %get3A_467 = tpu.vector_load %arg12[%get3A_465, %get3A_466] {strides = array<i32>} : memref<2x8192xf32, #tpu.memory_space<vmem>>, vector<16xf32>,
        %exp3A_468 = math.exp %get3A_467 : vector<16xf32>
        %add3A_469 = arith.addf %add3A_459, %exp3A_468 : vector<16xf32>
        scf.yield %add3A_469 : vector<16xf32>
      }
      %scan3A_277 = arith.constant 512 : i32
      %reduce_sum3A_278 = arith.constant true
      %reduce_sum3A_279 = vector.broadcast %reduce_sum3A_278 : i1 to vector<16xi1>
      %reduce_sum3A_280 = tpu.scan <sum>, %scan3A_276 masked %reduce_sum3A_279 : vector<16xf32>, vector<16xi1> -> vector<16xf32>
      %reduce_sum3A_281 = vector.extract %reduce_sum3A_280[15] : f32 from vector<16xf32>
      %broadcast_in_dim3A_282 = vector.broadcast %add3A_269 : i32 to vector<16xi32>
      %gather3A_283 = tpu.vector_load_idx %arg9[%broadcast_in_dim3A_282] : memref<256xi32, #tpu.memory_space<vmem>>[vector<16xi32>], vector<16xi32>,
      %broadcast_in_dim3A_284 = arith.constant 1 : i32
      %broadcast_in_dim3A_285 = vector.broadcast %broadcast_in_dim3A_284 : i32 to vector<16xi32>
      %gather3A_286 = tpu.vector_load_idx %arg12[%broadcast_in_dim3A_285, %gather3A_283] : memref<2x8192xf32, #tpu.memory_space<vmem>>[vector<16xi32>, vector<16xi32>], vector<16xf32>,
      %reduce_max3A_287 = arith.constant true
      %reduce_max3A_288 = vector.broadcast %reduce_max3A_287 : i1 to vector<16xi1>
      %reduce_max3A_289 = tpu.scan <max>, %gather3A_286 masked %reduce_max3A_288 : vector<16xf32>, vector<16xi1> -> vector<16xf32>
      %reduce_max3A_290 = vector.extract %reduce_max3A_289[15] : f32 from vector<16xf32>
      %broadcast_in_dim3A_291 = vector.broadcast %add3A_269 : i32 to vector<16xi32>
      %iota3A_292 = tpu.iota {dimensions = array<i32: 0>} : vector<16xi32>
      %eq3A_293 = arith.constant 0 : i32
      %eq3A_294 = vector.broadcast %eq3A_293 : i32 to vector<16xi32>
      %eq3A_295 = arith.cmpi eq, %iota3A_292, %eq3A_294 : vector<16xi32>
      %broadcast_in_dim3A_296 = vector.broadcast %reduce_sum3A_281 : f32 to vector<16xf32>
      tpu.vector_store_idx %arg14[%broadcast_in_dim3A_291], %broadcast_in_dim3A_296 masked %eq3A_295 : memref<256xf32, #tpu.memory_space<vmem>>[vector<16xi32>], vector<16xf32>, vector<16xi1>
      %broadcast_in_dim3A_297 = vector.broadcast %reduce_max3A_290 : f32 to vector<16xf32>
      tpu.vector_store_idx %arg15[%broadcast_in_dim3A_291], %broadcast_in_dim3A_297 masked %eq3A_295 : memref<256xf32, #tpu.memory_space<vmem>>[vector<16xi32>], vector<16xf32>, vector<16xi1>
      %mul3A_298 = arith.constant 2 : i32
      %mul3A_299 = arith.muli %add3A_223, %mul3A_298 : i32
      %add3A_300 = arith.addi %mul3A_2, %mul3A_299 : i32
      %dma_start3A_301 = arith.constant 0 : i32
      %dma_start3A_302 = tpu.memref_slice %arg5[%add3A_300, %dma_start3A_301] : memref<8192x8192xf32, #tpu.memory_space<hbm>> -> memref<2x8192xf32, #tpu.memory_space<hbm>>
      %dma_start3A_303 = arith.constant 0 : i32
      %dma_start3A_304 = tpu.memref_slice %arg5[%add3A_300, %dma_start3A_303] : memref<8192x8192xf32, #tpu.memory_space<hbm>> -> memref<2x8192xf32, #tpu.memory_space<hbm>>
      tpu.enqueue_dma source(%arg12 : memref<2x8192xf32, #tpu.memory_space<vmem>>) target(%dma_start3A_304 : memref<2x8192xf32, #tpu.memory_space<hbm>>) target_semaphore(%arg22 : memref<!tpu.dma_semaphore, #tpu.memory_space<semaphore_mem>>)
      %mul3A_305 = arith.constant 4 : i32
      %mul3A_306 = arith.muli %scan3A_39, %mul3A_305 : i32
      %add3A_307 = arith.constant 3 : i32
      %add3A_308 = arith.addi %mul3A_306, %add3A_307 : i32
      %dma_wait3A_309 = arith.constant 0 : i32
      %dma_wait3A_310 = tpu.memref_slice %arg8[%add3A_308, %dma_wait3A_309] : memref<128x2xi32, #tpu.memory_space<vmem>> -> memref<1x2xi32, #tpu.memory_space<vmem>>
      %dma_wait3A_311 = tpu.memref_squeeze %dma_wait3A_310 : memref<1x2xi32, #tpu.memory_space<vmem>> -> memref<2xi32, #tpu.memory_space<vmem>>
      %dma_wait3A_312 = arith.constant 0 : i32
      %dma_wait3A_313 = arith.constant 0 : i32
      %dma_wait3A_314 = tpu.memref_slice %arg2[%dma_wait3A_312, %dma_wait3A_313] : memref<8192x8192xf32, #tpu.memory_space<hbm>> -> memref<8192x8192xf32, #tpu.memory_space<hbm>>
      tpu.wait_indirect_dma semaphore(%arg19 : memref<!tpu.dma_semaphore, #tpu.memory_space<semaphore_mem>>) src(%dma_wait3A_314 : memref<8192x8192xf32, #tpu.memory_space<hbm>>) dst(%arg13 : memref<2x8192xf32, #tpu.memory_space<vmem>>)
      %lt3A_315 = arith.constant 31 : i32
      %lt3A_316 = arith.cmpi slt, %scan3A_39, %lt3A_315 : i32
      %convert_element_type3A_317 = arith.extui %lt3A_316 : i1 to i32
      %cond3A_318 = arith.constant 0 : i32
      %cond3A_319 = arith.cmpi ne, %convert_element_type3A_317, %cond3A_318 : i32
      scf.if %cond3A_319 {
        %dma_wait3A_392 = arith.constant 0 : i32
        %dma_wait3A_393 = tpu.memref_slice %arg5[%mul3A_2, %dma_wait3A_392] : memref<8192x8192xf32, #tpu.memory_space<hbm>> -> memref<2x8192xf32, #tpu.memory_space<hbm>>
        %dma_wait3A_394 = arith.constant 0 : i32
        %dma_wait3A_395 = tpu.memref_slice %arg5[%mul3A_2, %dma_wait3A_394] : memref<8192x8192xf32, #tpu.memory_space<hbm>> -> memref<2x8192xf32, #tpu.memory_space<hbm>>
        tpu.wait_dma2 semaphore(%arg21 : memref<!tpu.dma_semaphore, #tpu.memory_space<semaphore_mem>>) src(%arg11 : memref<2x8192xf32, #tpu.memory_space<vmem>>) dst(%dma_wait3A_395 : memref<2x8192xf32, #tpu.memory_space<hbm>>)
        %add3A_396 = arith.constant 2 : i32
        %add3A_397 = arith.addi %add3A_308, %add3A_396 : i32
        %dma_start3A_398 = arith.constant 0 : i32
        %dma_start3A_399 = tpu.memref_slice %arg8[%add3A_397, %dma_start3A_398] : memref<128x2xi32, #tpu.memory_space<vmem>> -> memref<1x2xi32, #tpu.memory_space<vmem>>
        %dma_start3A_400 = tpu.memref_squeeze %dma_start3A_399 : memref<1x2xi32, #tpu.memory_space<vmem>> -> memref<2xi32, #tpu.memory_space<vmem>>
        %dma_start3A_401 = arith.constant 0 : i32
        %dma_start3A_402 = arith.constant 0 : i32
        %dma_start3A_403 = tpu.memref_slice %arg2[%dma_start3A_401, %dma_start3A_402] : memref<8192x8192xf32, #tpu.memory_space<hbm>> -> memref<8192x8192xf32, #tpu.memory_space<hbm>>
        tpu.enqueue_indirect_dma source(%dma_start3A_403 : memref<8192x8192xf32, #tpu.memory_space<hbm>>) target(%arg11 : memref<2x8192xf32, #tpu.memory_space<vmem>>) offsets(%dma_start3A_400 : memref<2xi32, #tpu.memory_space<vmem>>) semaphore(%arg17 : memref<!tpu.dma_semaphore, #tpu.memory_space<semaphore_mem>>)
      } else {
      }
      %mul3A_320 = arith.constant 2 : i32
      %mul3A_321 = arith.muli %add3A_308, %mul3A_320 : i32
      %add3A_322 = arith.constant 0 : i32
      %add3A_323 = arith.addi %mul3A_321, %add3A_322 : i32
      %broadcast_in_dim3A_324 = arith.constant 0.000000e+00 : f32
      %broadcast_in_dim3A_325 = vector.broadcast %broadcast_in_dim3A_324 : f32 to vector<16xf32>
      %scan3A_326 = arith.constant 0 : i32
      %scan3A_327 = arith.constant 512 : i32
      %scan3A_328 = arith.addi %scan3A_326, %scan3A_327 : i32
      %scan3A_329 = arith.constant 8 : i32
      %scan3A_330 = scf.for %scan3A_392 = %scan3A_326 to %scan3A_328 step %scan3A_329 iter_args(%scan3A_393 = %broadcast_in_dim3A_325) -> (vector<16xf32>)  : i32 {
        %mul3A_394 = arith.constant 16 : i32
        %mul3A_395 = arith.muli %scan3A_392, %mul3A_394 : i32
        %get3A = arith.constant 0 : i32
        %get3A_396 = arith.index_cast %get3A : i32 to index
        %get3A_397 = arith.index_cast %mul3A_395 : i32 to index
        %get3A_398 = tpu.vector_load %arg13[%get3A_396, %get3A_397] {strides = array<i32>} : memref<2x8192xf32, #tpu.memory_space<vmem>>, vector<16xf32>,
        %exp3A = math.exp %get3A_398 : vector<16xf32>
        %add3A_399 = arith.addf %scan3A_393, %exp3A : vector<16xf32>
        %scan3A_400 = arith.constant 1 : i32
        %scan3A_401 = arith.addi %scan3A_392, %scan3A_400 : i32
        %mul3A_402 = arith.constant 16 : i32
        %mul3A_403 = arith.muli %scan3A_401, %mul3A_402 : i32
        %get3A_404 = arith.constant 0 : i32
        %get3A_405 = arith.index_cast %get3A_404 : i32 to index
        %get3A_406 = arith.index_cast %mul3A_403 : i32 to index
        %get3A_407 = tpu.vector_load %arg13[%get3A_405, %get3A_406] {strides = array<i32>} : memref<2x8192xf32, #tpu.memory_space<vmem>>, vector<16xf32>,
        %exp3A_408 = math.exp %get3A_407 : vector<16xf32>
        %add3A_409 = arith.addf %add3A_399, %exp3A_408 : vector<16xf32>
        %scan3A_410 = arith.constant 2 : i32
        %scan3A_411 = arith.addi %scan3A_392, %scan3A_410 : i32
        %mul3A_412 = arith.constant 16 : i32
        %mul3A_413 = arith.muli %scan3A_411, %mul3A_412 : i32
        %get3A_414 = arith.constant 0 : i32
        %get3A_415 = arith.index_cast %get3A_414 : i32 to index
        %get3A_416 = arith.index_cast %mul3A_413 : i32 to index
        %get3A_417 = tpu.vector_load %arg13[%get3A_415, %get3A_416] {strides = array<i32>} : memref<2x8192xf32, #tpu.memory_space<vmem>>, vector<16xf32>,
        %exp3A_418 = math.exp %get3A_417 : vector<16xf32>
        %add3A_419 = arith.addf %add3A_409, %exp3A_418 : vector<16xf32>
        %scan3A_420 = arith.constant 3 : i32
        %scan3A_421 = arith.addi %scan3A_392, %scan3A_420 : i32
        %mul3A_422 = arith.constant 16 : i32
        %mul3A_423 = arith.muli %scan3A_421, %mul3A_422 : i32
        %get3A_424 = arith.constant 0 : i32
        %get3A_425 = arith.index_cast %get3A_424 : i32 to index
        %get3A_426 = arith.index_cast %mul3A_423 : i32 to index
        %get3A_427 = tpu.vector_load %arg13[%get3A_425, %get3A_426] {strides = array<i32>} : memref<2x8192xf32, #tpu.memory_space<vmem>>, vector<16xf32>,
        %exp3A_428 = math.exp %get3A_427 : vector<16xf32>
        %add3A_429 = arith.addf %add3A_419, %exp3A_428 : vector<16xf32>
        %scan3A_430 = arith.constant 4 : i32
        %scan3A_431 = arith.addi %scan3A_392, %scan3A_430 : i32
        %mul3A_432 = arith.constant 16 : i32
        %mul3A_433 = arith.muli %scan3A_431, %mul3A_432 : i32
        %get3A_434 = arith.constant 0 : i32
        %get3A_435 = arith.index_cast %get3A_434 : i32 to index
        %get3A_436 = arith.index_cast %mul3A_433 : i32 to index
        %get3A_437 = tpu.vector_load %arg13[%get3A_435, %get3A_436] {strides = array<i32>} : memref<2x8192xf32, #tpu.memory_space<vmem>>, vector<16xf32>,
        %exp3A_438 = math.exp %get3A_437 : vector<16xf32>
        %add3A_439 = arith.addf %add3A_429, %exp3A_438 : vector<16xf32>
        %scan3A_440 = arith.constant 5 : i32
        %scan3A_441 = arith.addi %scan3A_392, %scan3A_440 : i32
        %mul3A_442 = arith.constant 16 : i32
        %mul3A_443 = arith.muli %scan3A_441, %mul3A_442 : i32
        %get3A_444 = arith.constant 0 : i32
        %get3A_445 = arith.index_cast %get3A_444 : i32 to index
        %get3A_446 = arith.index_cast %mul3A_443 : i32 to index
        %get3A_447 = tpu.vector_load %arg13[%get3A_445, %get3A_446] {strides = array<i32>} : memref<2x8192xf32, #tpu.memory_space<vmem>>, vector<16xf32>,
        %exp3A_448 = math.exp %get3A_447 : vector<16xf32>
        %add3A_449 = arith.addf %add3A_439, %exp3A_448 : vector<16xf32>
        %scan3A_450 = arith.constant 6 : i32
        %scan3A_451 = arith.addi %scan3A_392, %scan3A_450 : i32
        %mul3A_452 = arith.constant 16 : i32
        %mul3A_453 = arith.muli %scan3A_451, %mul3A_452 : i32
        %get3A_454 = arith.constant 0 : i32
        %get3A_455 = arith.index_cast %get3A_454 : i32 to index
        %get3A_456 = arith.index_cast %mul3A_453 : i32 to index
        %get3A_457 = tpu.vector_load %arg13[%get3A_455, %get3A_456] {strides = array<i32>} : memref<2x8192xf32, #tpu.memory_space<vmem>>, vector<16xf32>,
        %exp3A_458 = math.exp %get3A_457 : vector<16xf32>
        %add3A_459 = arith.addf %add3A_449, %exp3A_458 : vector<16xf32>
        %scan3A_460 = arith.constant 7 : i32
        %scan3A_461 = arith.addi %scan3A_392, %scan3A_460 : i32
        %mul3A_462 = arith.constant 16 : i32
        %mul3A_463 = arith.muli %scan3A_461, %mul3A_462 : i32
        %get3A_464 = arith.constant 0 : i32
        %get3A_465 = arith.index_cast %get3A_464 : i32 to index
        %get3A_466 = arith.index_cast %mul3A_463 : i32 to index
        %get3A_467 = tpu.vector_load %arg13[%get3A_465, %get3A_466] {strides = array<i32>} : memref<2x8192xf32, #tpu.memory_space<vmem>>, vector<16xf32>,
        %exp3A_468 = math.exp %get3A_467 : vector<16xf32>
        %add3A_469 = arith.addf %add3A_459, %exp3A_468 : vector<16xf32>
        scf.yield %add3A_469 : vector<16xf32>
      }
      %scan3A_331 = arith.constant 512 : i32
      %reduce_sum3A_332 = arith.constant true
      %reduce_sum3A_333 = vector.broadcast %reduce_sum3A_332 : i1 to vector<16xi1>
      %reduce_sum3A_334 = tpu.scan <sum>, %scan3A_330 masked %reduce_sum3A_333 : vector<16xf32>, vector<16xi1> -> vector<16xf32>
      %reduce_sum3A_335 = vector.extract %reduce_sum3A_334[15] : f32 from vector<16xf32>
      %broadcast_in_dim3A_336 = vector.broadcast %add3A_323 : i32 to vector<16xi32>
      %gather3A_337 = tpu.vector_load_idx %arg9[%broadcast_in_dim3A_336] : memref<256xi32, #tpu.memory_space<vmem>>[vector<16xi32>], vector<16xi32>,
      %broadcast_in_dim3A_338 = arith.constant 0 : i32
      %broadcast_in_dim3A_339 = vector.broadcast %broadcast_in_dim3A_338 : i32 to vector<16xi32>
      %gather3A_340 = tpu.vector_load_idx %arg13[%broadcast_in_dim3A_339, %gather3A_337] : memref<2x8192xf32, #tpu.memory_space<vmem>>[vector<16xi32>, vector<16xi32>], vector<16xf32>,
      %reduce_max3A_341 = arith.constant true
      %reduce_max3A_342 = vector.broadcast %reduce_max3A_341 : i1 to vector<16xi1>
      %reduce_max3A_343 = tpu.scan <max>, %gather3A_340 masked %reduce_max3A_342 : vector<16xf32>, vector<16xi1> -> vector<16xf32>
      %reduce_max3A_344 = vector.extract %reduce_max3A_343[15] : f32 from vector<16xf32>
      %broadcast_in_dim3A_345 = vector.broadcast %add3A_323 : i32 to vector<16xi32>
      %iota3A_346 = tpu.iota {dimensions = array<i32: 0>} : vector<16xi32>
      %eq3A_347 = arith.constant 0 : i32
      %eq3A_348 = vector.broadcast %eq3A_347 : i32 to vector<16xi32>
      %eq3A_349 = arith.cmpi eq, %iota3A_346, %eq3A_348 : vector<16xi32>
      %broadcast_in_dim3A_350 = vector.broadcast %reduce_sum3A_335 : f32 to vector<16xf32>
      tpu.vector_store_idx %arg14[%broadcast_in_dim3A_345], %broadcast_in_dim3A_350 masked %eq3A_349 : memref<256xf32, #tpu.memory_space<vmem>>[vector<16xi32>], vector<16xf32>, vector<16xi1>
      %broadcast_in_dim3A_351 = vector.broadcast %reduce_max3A_344 : f32 to vector<16xf32>
      tpu.vector_store_idx %arg15[%broadcast_in_dim3A_345], %broadcast_in_dim3A_351 masked %eq3A_349 : memref<256xf32, #tpu.memory_space<vmem>>[vector<16xi32>], vector<16xf32>, vector<16xi1>
      %mul3A_352 = arith.constant 2 : i32
      %mul3A_353 = arith.muli %add3A_308, %mul3A_352 : i32
      %add3A_354 = arith.constant 1 : i32
      %add3A_355 = arith.addi %mul3A_353, %add3A_354 : i32
      %broadcast_in_dim3A_356 = arith.constant 0.000000e+00 : f32
      %broadcast_in_dim3A_357 = vector.broadcast %broadcast_in_dim3A_356 : f32 to vector<16xf32>
      %scan3A_358 = arith.constant 0 : i32
      %scan3A_359 = arith.constant 512 : i32
      %scan3A_360 = arith.addi %scan3A_358, %scan3A_359 : i32
      %scan3A_361 = arith.constant 8 : i32
      %scan3A_362 = scf.for %scan3A_392 = %scan3A_358 to %scan3A_360 step %scan3A_361 iter_args(%scan3A_393 = %broadcast_in_dim3A_357) -> (vector<16xf32>)  : i32 {
        %mul3A_394 = arith.constant 16 : i32
        %mul3A_395 = arith.muli %scan3A_392, %mul3A_394 : i32
        %get3A = arith.constant 1 : i32
        %get3A_396 = arith.index_cast %get3A : i32 to index
        %get3A_397 = arith.index_cast %mul3A_395 : i32 to index
        %get3A_398 = tpu.vector_load %arg13[%get3A_396, %get3A_397] {strides = array<i32>} : memref<2x8192xf32, #tpu.memory_space<vmem>>, vector<16xf32>,
        %exp3A = math.exp %get3A_398 : vector<16xf32>
        %add3A_399 = arith.addf %scan3A_393, %exp3A : vector<16xf32>
        %scan3A_400 = arith.constant 1 : i32
        %scan3A_401 = arith.addi %scan3A_392, %scan3A_400 : i32
        %mul3A_402 = arith.constant 16 : i32
        %mul3A_403 = arith.muli %scan3A_401, %mul3A_402 : i32
        %get3A_404 = arith.constant 1 : i32
        %get3A_405 = arith.index_cast %get3A_404 : i32 to index
        %get3A_406 = arith.index_cast %mul3A_403 : i32 to index
        %get3A_407 = tpu.vector_load %arg13[%get3A_405, %get3A_406] {strides = array<i32>} : memref<2x8192xf32, #tpu.memory_space<vmem>>, vector<16xf32>,
        %exp3A_408 = math.exp %get3A_407 : vector<16xf32>
        %add3A_409 = arith.addf %add3A_399, %exp3A_408 : vector<16xf32>
        %scan3A_410 = arith.constant 2 : i32
        %scan3A_411 = arith.addi %scan3A_392, %scan3A_410 : i32
        %mul3A_412 = arith.constant 16 : i32
        %mul3A_413 = arith.muli %scan3A_411, %mul3A_412 : i32
        %get3A_414 = arith.constant 1 : i32
        %get3A_415 = arith.index_cast %get3A_414 : i32 to index
        %get3A_416 = arith.index_cast %mul3A_413 : i32 to index
        %get3A_417 = tpu.vector_load %arg13[%get3A_415, %get3A_416] {strides = array<i32>} : memref<2x8192xf32, #tpu.memory_space<vmem>>, vector<16xf32>,
        %exp3A_418 = math.exp %get3A_417 : vector<16xf32>
        %add3A_419 = arith.addf %add3A_409, %exp3A_418 : vector<16xf32>
        %scan3A_420 = arith.constant 3 : i32
        %scan3A_421 = arith.addi %scan3A_392, %scan3A_420 : i32
        %mul3A_422 = arith.constant 16 : i32
        %mul3A_423 = arith.muli %scan3A_421, %mul3A_422 : i32
        %get3A_424 = arith.constant 1 : i32
        %get3A_425 = arith.index_cast %get3A_424 : i32 to index
        %get3A_426 = arith.index_cast %mul3A_423 : i32 to index
        %get3A_427 = tpu.vector_load %arg13[%get3A_425, %get3A_426] {strides = array<i32>} : memref<2x8192xf32, #tpu.memory_space<vmem>>, vector<16xf32>,
        %exp3A_428 = math.exp %get3A_427 : vector<16xf32>
        %add3A_429 = arith.addf %add3A_419, %exp3A_428 : vector<16xf32>
        %scan3A_430 = arith.constant 4 : i32
        %scan3A_431 = arith.addi %scan3A_392, %scan3A_430 : i32
        %mul3A_432 = arith.constant 16 : i32
        %mul3A_433 = arith.muli %scan3A_431, %mul3A_432 : i32
        %get3A_434 = arith.constant 1 : i32
        %get3A_435 = arith.index_cast %get3A_434 : i32 to index
        %get3A_436 = arith.index_cast %mul3A_433 : i32 to index
        %get3A_437 = tpu.vector_load %arg13[%get3A_435, %get3A_436] {strides = array<i32>} : memref<2x8192xf32, #tpu.memory_space<vmem>>, vector<16xf32>,
        %exp3A_438 = math.exp %get3A_437 : vector<16xf32>
        %add3A_439 = arith.addf %add3A_429, %exp3A_438 : vector<16xf32>
        %scan3A_440 = arith.constant 5 : i32
        %scan3A_441 = arith.addi %scan3A_392, %scan3A_440 : i32
        %mul3A_442 = arith.constant 16 : i32
        %mul3A_443 = arith.muli %scan3A_441, %mul3A_442 : i32
        %get3A_444 = arith.constant 1 : i32
        %get3A_445 = arith.index_cast %get3A_444 : i32 to index
        %get3A_446 = arith.index_cast %mul3A_443 : i32 to index
        %get3A_447 = tpu.vector_load %arg13[%get3A_445, %get3A_446] {strides = array<i32>} : memref<2x8192xf32, #tpu.memory_space<vmem>>, vector<16xf32>,
        %exp3A_448 = math.exp %get3A_447 : vector<16xf32>
        %add3A_449 = arith.addf %add3A_439, %exp3A_448 : vector<16xf32>
        %scan3A_450 = arith.constant 6 : i32
        %scan3A_451 = arith.addi %scan3A_392, %scan3A_450 : i32
        %mul3A_452 = arith.constant 16 : i32
        %mul3A_453 = arith.muli %scan3A_451, %mul3A_452 : i32
        %get3A_454 = arith.constant 1 : i32
        %get3A_455 = arith.index_cast %get3A_454 : i32 to index
        %get3A_456 = arith.index_cast %mul3A_453 : i32 to index
        %get3A_457 = tpu.vector_load %arg13[%get3A_455, %get3A_456] {strides = array<i32>} : memref<2x8192xf32, #tpu.memory_space<vmem>>, vector<16xf32>,
        %exp3A_458 = math.exp %get3A_457 : vector<16xf32>
        %add3A_459 = arith.addf %add3A_449, %exp3A_458 : vector<16xf32>
        %scan3A_460 = arith.constant 7 : i32
        %scan3A_461 = arith.addi %scan3A_392, %scan3A_460 : i32
        %mul3A_462 = arith.constant 16 : i32
        %mul3A_463 = arith.muli %scan3A_461, %mul3A_462 : i32
        %get3A_464 = arith.constant 1 : i32
        %get3A_465 = arith.index_cast %get3A_464 : i32 to index
        %get3A_466 = arith.index_cast %mul3A_463 : i32 to index
        %get3A_467 = tpu.vector_load %arg13[%get3A_465, %get3A_466] {strides = array<i32>} : memref<2x8192xf32, #tpu.memory_space<vmem>>, vector<16xf32>,
        %exp3A_468 = math.exp %get3A_467 : vector<16xf32>
        %add3A_469 = arith.addf %add3A_459, %exp3A_468 : vector<16xf32>
        scf.yield %add3A_469 : vector<16xf32>
      }
      %scan3A_363 = arith.constant 512 : i32
      %reduce_sum3A_364 = arith.constant true
      %reduce_sum3A_365 = vector.broadcast %reduce_sum3A_364 : i1 to vector<16xi1>
      %reduce_sum3A_366 = tpu.scan <sum>, %scan3A_362 masked %reduce_sum3A_365 : vector<16xf32>, vector<16xi1> -> vector<16xf32>
      %reduce_sum3A_367 = vector.extract %reduce_sum3A_366[15] : f32 from vector<16xf32>
      %broadcast_in_dim3A_368 = vector.broadcast %add3A_355 : i32 to vector<16xi32>
      %gather3A_369 = tpu.vector_load_idx %arg9[%broadcast_in_dim3A_368] : memref<256xi32, #tpu.memory_space<vmem>>[vector<16xi32>], vector<16xi32>,
      %broadcast_in_dim3A_370 = arith.constant 1 : i32
      %broadcast_in_dim3A_371 = vector.broadcast %broadcast_in_dim3A_370 : i32 to vector<16xi32>
      %gather3A_372 = tpu.vector_load_idx %arg13[%broadcast_in_dim3A_371, %gather3A_369] : memref<2x8192xf32, #tpu.memory_space<vmem>>[vector<16xi32>, vector<16xi32>], vector<16xf32>,
      %reduce_max3A_373 = arith.constant true
      %reduce_max3A_374 = vector.broadcast %reduce_max3A_373 : i1 to vector<16xi1>
      %reduce_max3A_375 = tpu.scan <max>, %gather3A_372 masked %reduce_max3A_374 : vector<16xf32>, vector<16xi1> -> vector<16xf32>
      %reduce_max3A_376 = vector.extract %reduce_max3A_375[15] : f32 from vector<16xf32>
      %broadcast_in_dim3A_377 = vector.broadcast %add3A_355 : i32 to vector<16xi32>
      %iota3A_378 = tpu.iota {dimensions = array<i32: 0>} : vector<16xi32>
      %eq3A_379 = arith.constant 0 : i32
      %eq3A_380 = vector.broadcast %eq3A_379 : i32 to vector<16xi32>
      %eq3A_381 = arith.cmpi eq, %iota3A_378, %eq3A_380 : vector<16xi32>
      %broadcast_in_dim3A_382 = vector.broadcast %reduce_sum3A_367 : f32 to vector<16xf32>
      tpu.vector_store_idx %arg14[%broadcast_in_dim3A_377], %broadcast_in_dim3A_382 masked %eq3A_381 : memref<256xf32, #tpu.memory_space<vmem>>[vector<16xi32>], vector<16xf32>, vector<16xi1>
      %broadcast_in_dim3A_383 = vector.broadcast %reduce_max3A_376 : f32 to vector<16xf32>
      tpu.vector_store_idx %arg15[%broadcast_in_dim3A_377], %broadcast_in_dim3A_383 masked %eq3A_381 : memref<256xf32, #tpu.memory_space<vmem>>[vector<16xi32>], vector<16xf32>, vector<16xi1>
      %mul3A_384 = arith.constant 2 : i32
      %mul3A_385 = arith.muli %add3A_308, %mul3A_384 : i32
      %add3A_386 = arith.addi %mul3A_2, %mul3A_385 : i32
      %dma_start3A_387 = arith.constant 0 : i32
      %dma_start3A_388 = tpu.memref_slice %arg5[%add3A_386, %dma_start3A_387] : memref<8192x8192xf32, #tpu.memory_space<hbm>> -> memref<2x8192xf32, #tpu.memory_space<hbm>>
      %dma_start3A_389 = arith.constant 0 : i32
      %dma_start3A_390 = tpu.memref_slice %arg5[%add3A_386, %dma_start3A_389] : memref<8192x8192xf32, #tpu.memory_space<hbm>> -> memref<2x8192xf32, #tpu.memory_space<hbm>>
      tpu.enqueue_dma source(%arg13 : memref<2x8192xf32, #tpu.memory_space<vmem>>) target(%dma_start3A_390 : memref<2x8192xf32, #tpu.memory_space<hbm>>) target_semaphore(%arg23 : memref<!tpu.dma_semaphore, #tpu.memory_space<semaphore_mem>>)
      %scan3A_391 = arith.constant 0 : i32
      scf.yield %scan3A_391 : i32
    }
    %scan3A_23 = arith.constant 32 : i32
    %dma_wait3A = arith.constant 0 : i32
    %dma_wait3A_24 = tpu.memref_slice %arg5[%mul3A_2, %dma_wait3A] : memref<8192x8192xf32, #tpu.memory_space<hbm>> -> memref<2x8192xf32, #tpu.memory_space<hbm>>
    %dma_wait3A_25 = arith.constant 0 : i32
    %dma_wait3A_26 = tpu.memref_slice %arg5[%mul3A_2, %dma_wait3A_25] : memref<8192x8192xf32, #tpu.memory_space<hbm>> -> memref<2x8192xf32, #tpu.memory_space<hbm>>
    tpu.wait_dma2 semaphore(%arg20 : memref<!tpu.dma_semaphore, #tpu.memory_space<semaphore_mem>>) src(%arg10 : memref<2x8192xf32, #tpu.memory_space<vmem>>) dst(%dma_wait3A_26 : memref<2x8192xf32, #tpu.memory_space<hbm>>)
    %dma_wait3A_27 = arith.constant 0 : i32
    %dma_wait3A_28 = tpu.memref_slice %arg5[%mul3A_2, %dma_wait3A_27] : memref<8192x8192xf32, #tpu.memory_space<hbm>> -> memref<2x8192xf32, #tpu.memory_space<hbm>>
    %dma_wait3A_29 = arith.constant 0 : i32
    %dma_wait3A_30 = tpu.memref_slice %arg5[%mul3A_2, %dma_wait3A_29] : memref<8192x8192xf32, #tpu.memory_space<hbm>> -> memref<2x8192xf32, #tpu.memory_space<hbm>>
    tpu.wait_dma2 semaphore(%arg21 : memref<!tpu.dma_semaphore, #tpu.memory_space<semaphore_mem>>) src(%arg11 : memref<2x8192xf32, #tpu.memory_space<vmem>>) dst(%dma_wait3A_30 : memref<2x8192xf32, #tpu.memory_space<hbm>>)
    %dma_wait3A_31 = arith.constant 0 : i32
    %dma_wait3A_32 = tpu.memref_slice %arg5[%mul3A_2, %dma_wait3A_31] : memref<8192x8192xf32, #tpu.memory_space<hbm>> -> memref<2x8192xf32, #tpu.memory_space<hbm>>
    %dma_wait3A_33 = arith.constant 0 : i32
    %dma_wait3A_34 = tpu.memref_slice %arg5[%mul3A_2, %dma_wait3A_33] : memref<8192x8192xf32, #tpu.memory_space<hbm>> -> memref<2x8192xf32, #tpu.memory_space<hbm>>
    tpu.wait_dma2 semaphore(%arg22 : memref<!tpu.dma_semaphore, #tpu.memory_space<semaphore_mem>>) src(%arg12 : memref<2x8192xf32, #tpu.memory_space<vmem>>) dst(%dma_wait3A_34 : memref<2x8192xf32, #tpu.memory_space<hbm>>)
    %dma_wait3A_35 = arith.constant 0 : i32
    %dma_wait3A_36 = tpu.memref_slice %arg5[%mul3A_2, %dma_wait3A_35] : memref<8192x8192xf32, #tpu.memory_space<hbm>> -> memref<2x8192xf32, #tpu.memory_space<hbm>>
    %dma_wait3A_37 = arith.constant 0 : i32
    %dma_wait3A_38 = tpu.memref_slice %arg5[%mul3A_2, %dma_wait3A_37] : memref<8192x8192xf32, #tpu.memory_space<hbm>> -> memref<2x8192xf32, #tpu.memory_space<hbm>>
    tpu.wait_dma2 semaphore(%arg23 : memref<!tpu.dma_semaphore, #tpu.memory_space<semaphore_mem>>) src(%arg13 : memref<2x8192xf32, #tpu.memory_space<vmem>>) dst(%dma_wait3A_38 : memref<2x8192xf32, #tpu.memory_space<hbm>>)
    "tpu.region"() ({
      %run_scoped3A = tpu.sem_alloc : memref<!tpu.dma_semaphore, #tpu.memory_space<semaphore_mem>>
      %dma_start3A_39 = tpu.memref_slice %arg6[%mul3A_2] : memref<8192xf32, #tpu.memory_space<hbm>> -> memref<256xf32, #tpu.memory_space<hbm>>
      %dma_start3A_40 = tpu.memref_slice %arg6[%mul3A_2] : memref<8192xf32, #tpu.memory_space<hbm>> -> memref<256xf32, #tpu.memory_space<hbm>>
      tpu.enqueue_dma source(%arg14 : memref<256xf32, #tpu.memory_space<vmem>>) target(%dma_start3A_40 : memref<256xf32, #tpu.memory_space<hbm>>) target_semaphore(%run_scoped3A : memref<!tpu.dma_semaphore, #tpu.memory_space<semaphore_mem>>)
      %dma_wait3A_41 = tpu.memref_slice %arg6[%mul3A_2] : memref<8192xf32, #tpu.memory_space<hbm>> -> memref<256xf32, #tpu.memory_space<hbm>>
      %dma_wait3A_42 = tpu.memref_slice %arg6[%mul3A_2] : memref<8192xf32, #tpu.memory_space<hbm>> -> memref<256xf32, #tpu.memory_space<hbm>>
      tpu.wait_dma2 semaphore(%run_scoped3A : memref<!tpu.dma_semaphore, #tpu.memory_space<semaphore_mem>>) src(%arg14 : memref<256xf32, #tpu.memory_space<vmem>>) dst(%dma_wait3A_42 : memref<256xf32, #tpu.memory_space<hbm>>)
      tpu.yield
    }) : () -> ()
    "tpu.region"() ({
      %run_scoped3A = tpu.sem_alloc : memref<!tpu.dma_semaphore, #tpu.memory_space<semaphore_mem>>
      %dma_start3A_39 = tpu.memref_slice %arg7[%mul3A_2] : memref<8192xf32, #tpu.memory_space<hbm>> -> memref<256xf32, #tpu.memory_space<hbm>>
      %dma_start3A_40 = tpu.memref_slice %arg7[%mul3A_2] : memref<8192xf32, #tpu.memory_space<hbm>> -> memref<256xf32, #tpu.memory_space<hbm>>
      tpu.enqueue_dma source(%arg15 : memref<256xf32, #tpu.memory_space<vmem>>) target(%dma_start3A_40 : memref<256xf32, #tpu.memory_space<hbm>>) target_semaphore(%run_scoped3A : memref<!tpu.dma_semaphore, #tpu.memory_space<semaphore_mem>>)
      %dma_wait3A_41 = tpu.memref_slice %arg7[%mul3A_2] : memref<8192xf32, #tpu.memory_space<hbm>> -> memref<256xf32, #tpu.memory_space<hbm>>
      %dma_wait3A_42 = tpu.memref_slice %arg7[%mul3A_2] : memref<8192xf32, #tpu.memory_space<hbm>> -> memref<256xf32, #tpu.memory_space<hbm>>
      tpu.wait_dma2 semaphore(%run_scoped3A : memref<!tpu.dma_semaphore, #tpu.memory_space<semaphore_mem>>) src(%arg15 : memref<256xf32, #tpu.memory_space<vmem>>) dst(%dma_wait3A_42 : memref<256xf32, #tpu.memory_space<hbm>>)
      tpu.yield
    }) : () -> ()
    return
  }
}

module attributes {stable_mosaic.version = 14 : i64} {
  func.func @_loss_body(%arg0: memref<64x128xf32, #tpu.memory_space<vmem>>, %arg1: memref<64x128xf32, #tpu.memory_space<vmem>>, %arg2: memref<1x1xf32, #tpu.memory_space<smem>>) attributes {dimension_semantics = [], scalar_prefetch = 0 : i64, scratch_operands = 0 : i64, tpu.core_type = #tpu.core_type<tc>} {
    %get3A = arith.constant 0 : index
    %get3A_0 = arith.constant 0 : index
    %get3A_1 = vector.load %arg0[%get3A, %get3A_0] : memref<64x128xf32, #tpu.memory_space<vmem>>, vector<64x128xf32>
    %log3A = math.log %get3A_1 : vector<64x128xf32>
    %get3A_2 = arith.constant 0 : index
    %get3A_3 = arith.constant 0 : index
    %get3A_4 = vector.load %arg1[%get3A_2, %get3A_3] : memref<64x128xf32, #tpu.memory_space<vmem>>, vector<64x128xf32>
    %sub3A = arith.subf %log3A, %get3A_4 : vector<64x128xf32>
    %reduce_sum3A = vector.shape_cast %sub3A : vector<64x128xf32> to vector<1x64x128xf32>
    %reduce_sum3A_5 = arith.constant dense<0.000000e+00> : vector<1xf32>
    %reduce_sum3A_6 = vector.multi_reduction <add>, %reduce_sum3A, %reduce_sum3A_5 [1, 2] : vector<1x64x128xf32> to vector<1xf32>
    %reduce_sum3A_7 = vector.shape_cast %reduce_sum3A_6 : vector<1xf32> to vector<1x1x1xf32>
    %reduce_sum3A_8 = vector.extract %reduce_sum3A_7[0, 0, 0] : f32 from vector<1x1x1xf32>
    %mul3A = arith.constant 1.22070313E-4 : f32
    %mul3A_9 = arith.mulf %reduce_sum3A_8, %mul3A : f32
    %swap3A = arith.constant 0 : index
    %swap3A_10 = arith.constant 0 : index
    %swap3A_11 = memref.load %arg2[%swap3A, %swap3A_10] : memref<1x1xf32, #tpu.memory_space<smem>>
    memref.store %mul3A_9, %arg2[%swap3A, %swap3A_10] : memref<1x1xf32, #tpu.memory_space<smem>>
    return
  }
}

</mosaic_0001>

<sc_bundles>
// kernel: kernel.4.cloned.1.call-start
scs
__scs_entry_jumppad:
0x0: {  	(pc) =	sbr.rel $0x88, $3  }
0x1: {  	(tag) =	ssettag $0x0;
	lr =	simm.s32 $0x1  }
0x2: {  	[smem:$0x3F9E] =	sst lr;
	_ =	strace $0xD0000000  }
0x3: {  	_ = 	snop  }
0x4: {  	_ = 	snop  }
0x5: {  	_ = 	snop  }
0x6: {  	_ = 	snop  }
0x7: {  	_ = 	snop  }
__scs_overlays_trampoline_lowered:
0x8: {  	[smem:$0x3FAD] =	sst s0  }
0x9: {  	[smem:$0x3FAE] =	sst s1  }
0xa: {  	[smem:$0x3FAF] =	sst s2  }
0xb: {  	[smem:$0x3FB0] =	sst s3  }
0xc: {  	[smem:$0x3FB1] =	sst s4  }
0xd: {  	[smem:$0x3FB2] =	sst s5  }
0xe: {  	[smem:$0x3FB3] =	sst s6  }
0xf: {  	[smem:$0x3FB4] =	sst s7  }
0x10: {  	[smem:$0x3FB5] =	sst s8  }
0x11: {  	[smem:$0x3FB6] =	sst s9;
	s0 =	simm.s32 @!p0 $0x0  }
0x12: {  	s1 =	sld [smem:$0x3F9C];
	s0 =	simm.s32 @p0 $0x1  }
0x13: {  	[smem:$0x3FB7] =	sst s0;
	s0 =	simm.s32 @!p1 $0x0  }
0x14: {  	s2 =	sld [smem:$0x3F9B];
	s0 =	simm.s32 @p1 $0x1  }
0x15: {  	[smem:$0x3FB8] =	sst s0;
	s0 =	simm.s32 @!p2 $0x0  }
0x16: {  	s3 =	sld [smem:$0x3FDB];
	s0 =	simm.s32 @p2 $0x1  }
0x17: {  	s4 =	simm.s32 $0x1BF5;
	[smem:$0x3FBA] =	sst s0  }
0x18: {  	s0 =	sld [smem:$0x3F9D];
	_ =	swait.ge [sflag:s4], $0x0  }
0x19: {  	s7 =	sld [smem:$0x3F9E]  }
0x1a: {  	s8 =	sadd.s32 $0xFFFFE003, lr  }
0x1b: {  	s9 =	sadd.s32 $0xFFFFFEF7, lr;
	s5 =	simm.s32 $0xFFFFFFFF;
	p2 =	slt.u32 s8, $0xFFFFF086  }
0x1c: {  	p1 =	slt.u32 s9, $0xF7A;
	s5 =	simm.s32 @!p2 $0x0  }
0x1d: {  	s5 =	simm.s32 @p1 $0x1;
	p0 =	seq.s32 s7, s2  }
0x1e: {  	s7 =	smul.u32 @!p0 $0xF7A, s2;
	p2 =	seq.s32 @!p0 s5, $0x0  }
0x1f: {  	s9 =	smul.u32 $0xF7A, s1;
	s8 =	simm.s32 @!p0 $0x1BF5;
	p2 =	por !p2, p0  }
0x20: {  	[sflag:s8] =	ssyncset.s32 @!p0 $0xFFFFF086;
	s6 =	sadd.s32 @!p0 s3, s7;
	s7 =	simm.s32 @!p0 $0x108  }
0x21: {  	s3 =	sadd.s32 s3, s9;
	s6 =	sadd.s32 @!p0 $0x88, s6;
	s7 =	simm.s32 @p2 $0x1082  }
0x22: {  	[simem:s7], [sflag:s8] =	dma.local @!p0 [hbm:s6], $0xF7A  }
0x23: {  	s9 =	sor.u32 $0xD0000000, s2;
	s6 =	simm.s32 $0x108;
	_ =	swait.ge @!p0 [sflag:s8], $0x0  }
0x24: {  	s3 =	sadd.s32 $0x88, s3;
	s6 =	simm.s32 @!p1 $0x1082;
	[sflag:s4] =	ssyncset.s32 $0xFFFFF086  }
0x25: {  	[simem:s6], [sflag:s4] =	dma.local [hbm:s3], $0xF7A  }
0x26: {  	[smem:$0x3F9E] =	sst s1;
	(tag) =	ssettag s2;
	_ =	strace s9  }
0x27: {  	s1 =	sld [smem:$0x3FAE]  }
0x28: {  	s2 =	sld [smem:$0x3FAF]  }
0x29: {  	s4 =	sld [smem:$0x3FB1]  }
0x2a: {  	p0 =	seq.s32 s5, $0x0;
	s5 =	sld [smem:$0x3FB2]  }
0x2b: {  	s6 =	sld [smem:$0x3FB3]  }
0x2c: {  	s7 =	sld [smem:$0x3FB4]  }
0x2d: {  	s3 =	simm.s32 $0x108;
	s8 =	sld [smem:$0x3FB5]  }
0x2e: {  	s3 =	simm.s32 @!p0 $0x1082;
	s9 =	sld [smem:$0x3FB6]  }
0x2f: {  	lr =	sadd.s32 s0, s3;
	s0 =	sld [smem:$0x3FAD]  }
0x30: {  	s3 =	sld [smem:$0x3FB0]  }
0x31: {  	[smem:$0x3FB9] =	sst s10  }
0x32: {  	s10 =	sld [smem:$0x3FB7];
	_ =	sdelay $0x3  }
0x33: {  	p0 =	seq.s32 s10, $0x1;
	s10 =	sld [smem:$0x3FB9];
	_ =	sdelay $0x3  }
0x34: {  	[smem:$0x3FB9] =	sst s10  }
0x35: {  	s10 =	sld [smem:$0x3FB8];
	_ =	sdelay $0x3  }
0x36: {  	p1 =	seq.s32 s10, $0x1;
	s10 =	sld [smem:$0x3FB9];
	_ =	sdelay $0x3  }
0x37: {  	[smem:$0x3FB9] =	sst s10  }
0x38: {  	s10 =	sld [smem:$0x3FBA]  }
0x39: {  	_ = 	snop;
	(pc) =	sbr.ind lr, $3  }
0x3a: {  	_ = 	snop  }
0x3b: {  	_ = 	snop  }
0x3c: {  	p2 =	seq.s32 s10, $0x1;
	s10 =	sld [smem:$0x3FB9]  }
0x3d: {  	_ =	shalt  }
0x3e: {  	_ =	shalt  }
0x3f: {  	_ =	shalt  }
0x40: {  	_ =	shalt  }
0x41: {  	_ =	shalt  }
0x42: {  	_ =	shalt  }
0x43: {  	_ =	shalt  }
0x44: {  	_ =	shalt  }
0x45: {  	_ =	shalt  }
0x46: {  	_ =	shalt  }
0x47: {  	_ =	shalt  }
0x48: {  	_ =	shalt  }
0x49: {  	_ =	shalt  }
0x4a: {  	_ =	shalt  }
0x4b: {  	_ =	shalt  }
0x4c: {  	_ =	shalt  }
0x4d: {  	_ =	shalt  }
0x4e: {  	_ =	shalt  }
0x4f: {  	_ =	shalt  }
0x50: {  	_ =	shalt  }
0x51: {  	_ =	shalt  }
0x52: {  	_ =	shalt  }
0x53: {  	_ =	shalt  }
0x54: {  	_ =	shalt  }
0x55: {  	_ =	shalt  }
0x56: {  	_ =	shalt  }
0x57: {  	_ =	shalt  }
0x58: {  	_ =	shalt  }
0x59: {  	_ =	shalt  }
0x5a: {  	_ =	shalt  }
0x5b: {  	_ =	shalt  }
0x5c: {  	_ =	shalt  }
0x5d: {  	_ =	shalt  }
0x5e: {  	_ =	shalt  }
0x5f: {  	_ =	shalt  }
0x60: {  	_ =	shalt  }
0x61: {  	_ =	shalt  }
0x62: {  	_ =	shalt  }
0x63: {  	_ =	shalt  }
0x64: {  	_ =	shalt  }
0x65: {  	_ =	shalt  }
0x66: {  	_ =	shalt  }
0x67: {  	_ =	shalt  }
0x68: {  	_ =	shalt  }
0x69: {  	_ =	shalt  }
0x6a: {  	_ =	shalt  }
0x6b: {  	_ =	shalt  }
0x6c: {  	_ =	shalt  }
0x6d: {  	_ =	shalt  }
0x6e: {  	_ =	shalt  }
0x6f: {  	_ =	shalt  }
0x70: {  	_ =	shalt  }
0x71: {  	_ =	shalt  }
0x72: {  	_ =	shalt  }
0x73: {  	_ =	shalt  }
0x74: {  	_ =	shalt  }
0x75: {  	_ =	shalt  }
0x76: {  	_ =	shalt  }
0x77: {  	_ =	shalt  }
0x78: {  	_ =	shalt  }
0x79: {  	_ =	shalt  }
0x7a: {  	_ =	shalt  }
0x7b: {  	_ =	shalt  }
0x7c: {  	_ =	shalt  }
0x7d: {  	_ =	shalt  }
0x7e: {  	_ =	shalt  }
0x7f: {  	_ =	shalt  }
0x80: {  	_ =	shalt  }
0x81: {  	_ =	shalt  }
0x82: {  	_ =	shalt  }
0x83: {  	_ =	shalt  }
0x84: {  	_ =	shalt  }
0x85: {  	_ =	shalt  }
0x86: {  	_ =	shalt  }
0x87: {  	_ =	shalt  }
.Lfunc_end0:
.L_simem_size_0:
called_computation_lowered:
.L_overlay_start_0:
0x88: {  	s2 =	sld [smem:$0x3FD9]  }
0x89: {  	s3 =	sld [smem:$0x3FFE];
	_ =	sdelay $0x1  }
0x8a: {  	s1 =	srdreg.scid  }
0x8b: {  	s0 =	sand.u32 $0x1, s1  }
0x8c: {  	s14 =	sshll.u32 s0, $0xA;
	s2 =	sadd.s32 s3, s2  }
0x8d: {  	s2 =	sadd.s32 s2, s14  }
0x8e: {  	[smem:$0x3FC5] =	sst s2  }
0x8f: {  	_ = 	snop  }
0x90: {  	s2 =	sld [smem:$0x3FD0];
	_ =	sdelay $0x2  }
0x91: {  	s4 =	simm.s32 $0xA;
	s5 =	simm.s32 $0x10;
	s15 =	sld [smem:$0x3FC9]  }
0x92: {  	[smem:s5], [sflag:s4] =	dma.local [hbm:s2], $0x1  }
0x93: {  	_ =	swait.eq [sflag:s4], $0x1  }
0x94: {  	[sflag:s4] =	ssyncset.done $0x0  }
0x95: {  	[sflag:s4] =	ssyncadd.s32 $0xFFFFFFFF  }
0x96: {  	s16 =	sld [smem:$0x10];
	(tm) =	ssettm $0x1  }
0x97: {  	s17 =	sld [smem:$0x3FFB];
	_ =	sdelay $0x3  }
0x98: {  	_ =	strace s17  }
0x99: {  	s4 =	sld [smem:$0x3FFC];
	_ =	sdelay $0x3  }
0x9a: {  	_ =	strace s4  }
0x9b: {  	s4 =	sld [smem:$0x3FFD];
	_ =	sdelay $0x3  }
0x9c: {  	_ =	strace s4  }
0x9d: {  	_ =	strace $0x8FFFFFFF  }
0x9e: {  	s18 =	sld [smem:$0x3FDB];
	_ =	sdelay $0x1  }
0x9f: {  	s19 =	simm.s32 $_scs_section_size  }
0xa0: {  	s6 =	simm.s32 $_size__tile_overlayer_lowered;
	s7 =	simm.s32 $_tile_overlayer_lowered  }
0xa1: {  	s22 =	simm.s32 $0x1BFF;
	s21 =	sshll.u32 s7, $0x1;
	s4 =	sadd.s32 s19, s18  }
0xa2: {  	s8 =	simm.s32 $0x0;
	s20 =	sshll.u32 s6, $0x1;
	s6 =	sadd.s32 s21, s4  }
0xa3: {  	[timem:s8], [sflag:s22] =	dma.local [hbm:s6], s20  }
0xa4: {  	_ =	swait.ge [sflag:s22], s20  }
0xa5: {  	s5 =	ssub.s32 $0x0, s20;
	[sflag:s22] =	ssyncset.done $0x0  }
0xa6: {  	[sflag:s22] =	ssyncadd.s32 s5;
	_ =	sdelay $0x1  }
0xa7: {  	s23 =	simm.s32 $0x1B8B  }
0xa8: {  	_ =	swait.ge [sflag:s23], $0x1  }
0xa9: {  	[sflag:s23] =	ssyncset.done $0x0  }
0xaa: {  	s25 =	simm.s32 $0x1B8E;
	s24 =	sld [smem:$0x3FFE];
	[sflag:s23] =	ssyncadd.s32 $0xFFFFFFFF  }
0xab: {  	s26 =	simm.s32 $execute0_lowered;
	[smem:$0x3FD2] =	sst s25  }
0xac: {  	s6 =	sshll.u32 s26, $0x1;
	_ =	strace $0x80000046;
	[dreg:$0x1] =	wrdreg $0xFFFFFFFF  }
0xad: {  	s28 =	simm.s32 $_size_execute0_lowered;
	s4 =	sadd.s32 s4, s6;
	[dreg:$0x0] =	wrdreg $0x0  }
0xae: {  	s6 =	sshll.u32 s28, $0x1;
	[dreg:$0x2] =	wrdreg s4  }
0xaf: {  	[dreg:$0x3] =	wrdreg s6  }
0xb0: {  	[dreg:$0x4] =	wrdreg $0xC0  }
0xb1: {  	_ =	task [dreg:s8], $0x5FFFF  }
0xb2: {  	[dreg:$0x1] =	wrdreg $0xFFFFFFFF  }
0xb3: {  	[dreg:$0x0] =	wrdreg $0x60  }
0xb4: {  	[dreg:$0x2] =	wrdreg s15  }
0xb5: {  	[dreg:$0x3] =	wrdreg s24  }
0xb6: {  	[dreg:$0x4] =	wrdreg s16  }
0xb7: {  	[dreg:$0x5] =	wrdreg $0x9  }
0xb8: {  	_ =	task.clear_ibuf [dreg:s8], $0x6FFFF;
	_ =	strace $0x90000046  }
0xb9: {  	s29 =	simm.s32 $0x9;
	_ =	strace $0x80000048  }
0xba: {  	_ =	swait.ge [sflag:s29], $0x1  }
0xbb: {  	[sflag:s29] =	ssyncadd.s32 $0xFFFFFFFF  }
0xbc: {  	_ =	strace $0x90000048  }
0xbd: {  	_ =	sfence  }
0xbe: {  	s30 =	sld [smem:$0x0];
	_ =	sdelay $0x2  }
0xbf: {  	s31 =	sshll.u32 s1, $0xD;
	s1 =	sshrl.u32 s1, $0x2  }
0xc0: {  	s3 =	sand.u32 $0x4000, s31;
	s1 =	sadd.s32 s1, s30  }
0xc1: {  	s0 =	sor.u32 s3, s0;
	s1 =	sshll.u32 s1, $0x11  }
0xc2: {  	s0 =	sor.u32 s1, s0  }
0xc3: {  	s0 =	sadd.s32 $0x8F2B, s0  }
0xc4: {  	[sflag:s0] =	ssyncadd.remote.s32 $0x1  }
0xc5: {  	_ =	sfence.sel $0xFFFF  }
0xc6: {  	[dreg:$0x0] =	wrdreg $0xFFFFFFFF;
	(pc) =	sbr.abs _section_cstart, $3  }
0xc7: {  	[dreg:$0x1] =	wrdreg $0xFFFFFFFF  }
0xc8: {  	_ =	task.clear_ibuf [dreg:s8], $0x2FFFF;
	_ =	strace $0x9FFFFFFF  }
0xc9: {  	(tm) =	ssettm $0x7FFFFFFF  }
tec
execute0_lowered:
.L_overlay_start_1:
0x0: {  	(tag) =	ssettag $0x1  }
0x1: {  	s1 =	rddreg [dreg:$0x0]  }
0x2: {  	s0 =	rddreg [dreg:$0x1]  }
0x3: {  	s15 =	rddreg [dreg:$0x2];
	s4 =	simm.s32 $0x0;
	s2 =	srdreg.scid  }
0x4: {  	s3 =	stileid.u32;
	s22 =	simm.s32 $0x4000;
	s23 =	simm.s32 $0x4100  }
0x5: {  	s31 =	simm.s32 $0x1;
	s18 =	simm.s32 $0x14200;
	s19 =	simm.s32 $0x100  }
0x6: {  	s20 =	simm.s32 $0x400;
	s21 =	simm.s32 $0x2;
	s16 =	simm.s32 $0x0  }
0x7: {  	[smem:$0x7FF] =	sst s4;
	s2 =	sand.u32 $0x1, s2;
	s3 =	sshll.u32 s3, $0x1  }
0x8: {  	s9 =	sadd.s32 $0x800, s1;
	s10 =	sadd.s32 $0xC00, s1;
	s11 =	sadd.s32 $0x1000, s1  }
0x9: {  	s12 =	sadd.s32 $0x1400, s1;
	s13 =	sadd.s32 $0x1800, s1;
	s14 =	sadd.s32 $0x1C00, s1  }
0xa: {  	s26 =	sadd.s32 $0x20, s15;
	s28 =	sadd.s32 $0x40, s15;
	s17 =	sadd.s32 $0x60, s15  }
0xb: {  	s15 =	simm.s32 $0x9;
	_ =	strace $0x80000047;
	s3 =	sor.u32 s2, s3  }
0xc: {  	s2 =	ssub.s32 $0x2, s2;
	[dreg:$0x6] =	wrdreg s26;
	s5 =	sshll.u32 s3, $0xB  }
0xd: {  	[dreg:$0x7] =	wrdreg s28;
	s6 =	sshll.u32 s3, $0x5;
	s8 =	sadd.s32 s5, s0  }
0xe: {  	s7 =	sshrl.u32 s2, $0x1;
	s0 =	sadd.s32 s6, s0;
	s24 =	sadd.s32 $0x1000, s8  }
0xf: {  	s2 =	ssub.s32 s2, s7;
	s25 =	sadd.s32 $0xC00, s0;
	[dreg:$0x4] =	wrdreg s24  }
0x10: {  	s5 =	sshll.u32 s3, $0x8;
	s29 =	sadd.s32 $0x11000, s0;
	[dreg:$0x5] =	wrdreg s25  }
0x11: {  	s7 =	simm.s32 $0x14100;
	s0 =	sadd.s32 $0x11400, s0;
	[dreg:$0x8] =	wrdreg s29  }
0x12: {  	v0 =	vlaneseq.u32;
	s3 =	simm.s32 $0x10100;
	s30 =	smax.u32 s2, $0x1;
	[dreg:$0x9] =	wrdreg s0  }
0x13: {  	v1 =	vshrl.u32 v0, $0x1;
	s8 =	sadd.s32 $0x400, s1;
	s2 =	simm.s32 $0xC100;
	[dreg:$0xa] =	wrdreg s30  }
0x14: {  	vm0 =	vmmov $0xffff;
	v0 =	vand.u32 $0x1, v0;
	v1 =	vmul.u32 $0x8, v1;
	s0 =	simm.s32 $0x8100;
	s24 =	simm.s32 $0x3;
	s25 =	simm.s32 $0x4  }
.LBB2_1:
0x15: {  	[dreg:$0xb] =	wrdreg s16  }
0x16: {  	s6 =	rddreg [dreg:$0x4]  }
0x17: {  	[tilespmem:s4], [sflag:$0x9] =	stream.linear.gather [hbm4b:s6+s4], $0x4000, $0x38;
	[tilespmem:$0x14300] =	vst v63  }
0x18: {  	_ =	swait.ge [sflag:s15], $0x4000  }
0x19: {  	[sflag:s15] =	ssyncset.done $0x0  }
0x1a: {  	s28 =	rddreg [dreg:$0x5];
	[sflag:s15] =	ssyncadd.s32 $0xFFFFC000  }
0x1b: {  	[tilespmem:s22], [sflag:$0x9] =	stream.linear.gather [hbm4b:s28+s4], $0x100, $0x38;
	[tilespmem:$0x14300] =	vst v63  }
0x1c: {  	_ =	swait.ge [sflag:s15], $0x100  }
0x1d: {  	[sflag:s15] =	ssyncset.done $0x0  }
0x1e: {  	[sflag:s15] =	ssyncadd.s32 $0xFFFFFF00  }
0x1f: {  	v2 =	vld.msk [tilespmem:$0x0], $0x3;
	_ =	sdelay $0x4  }
0x20: {  	v3 =	vshll.u32 v2, $0x6  }
0x21: {  	v2 =	vand.u32 $0x7, v2;
	v3 =	vand.u32 $0xFFFFFE00, v3  }
0x22: {  	v2 =	vor.u32 v2, v3  }
0x23: {  	v2 =	vperm.xlane v2, v0;
	_ =	sdelay $0x1  }
0x24: {  	v2 =	vadd.s32 v1, v2;
	_ =	sdelay $0x4  }
0x25: {  	[tilespmem:s23], [sflag:$0x1] =	stream.indirect_vreg.gather [hbm4b:s1+s4], $0x80, v2, vm0, $0xb8;
	[tilespmem:$0x14300] =	vst v63  }
0x26: {  	s29 =	simm.s32 $0x4900  }
0x27: {  	[tilespmem:s29], [sflag:$0x1] =	stream.indirect_vreg.gather [hbm4b:s8+s4], $0x80, v2, vm0, $0xb8;
	[tilespmem:$0x14300] =	vst v63  }
0x28: {  	s30 =	simm.s32 $0x5100  }
0x29: {  	[tilespmem:s30], [sflag:$0x1] =	stream.indirect_vreg.gather [hbm4b:s9+s4], $0x80, v2, vm0, $0xb8;
	[tilespmem:$0x14300] =	vst v63  }
0x2a: {  	s15 =	simm.s32 $0x5900  }
0x2b: {  	[tilespmem:s15], [sflag:$0x1] =	stream.indirect_vreg.gather [hbm4b:s10+s4], $0x80, v2, vm0, $0xb8;
	[tilespmem:$0x14300] =	vst v63  }
0x2c: {  	s16 =	simm.s32 $0x6100  }
0x2d: {  	[tilespmem:s16], [sflag:$0x1] =	stream.indirect_vreg.gather [hbm4b:s11+s4], $0x80, v2, vm0, $0xb8;
	[tilespmem:$0x14300] =	vst v63  }
0x2e: {  	s26 =	simm.s32 $0x6900  }
0x2f: {  	[tilespmem:s26], [sflag:$0x1] =	stream.indirect_vreg.gather [hbm4b:s12+s4], $0x80, v2, vm0, $0xb8;
	[tilespmem:$0x14300] =	vst v63  }
0x30: {  	s28 =	simm.s32 $0x7100  }
0x31: {  	[tilespmem:s28], [sflag:$0x1] =	stream.indirect_vreg.gather [hbm4b:s13+s4], $0x80, v2, vm0, $0xb8;
	[tilespmem:$0x14300] =	vst v63  }
0x32: {  	s29 =	simm.s32 $0x7900  }
0x33: {  	[tilespmem:s29], [sflag:$0x1] =	stream.indirect_vreg.gather [hbm4b:s14+s4], $0x80, v2, vm0, $0xb8;
	[tilespmem:$0x14300] =	vst v63  }
0x34: {  	v2 =	vld.msk [tilespmem:$0x80], $0x3;
	_ =	sdelay $0x4  }
0x35: {  	v3 =	vshll.u32 v2, $0x6  }
0x36: {  	v2 =	vand.u32 $0x7, v2;
	v3 =	vand.u32 $0xFFFFFE00, v3  }
0x37: {  	v2 =	vor.u32 v2, v3  }
0x38: {  	v2 =	vperm.xlane v2, v0;
	_ =	sdelay $0x1  }
0x39: {  	v2 =	vadd.s32 v1, v2;
	_ =	sdelay $0x4  }
0x3a: {  	[tilespmem:s0], [sflag:$0x2] =	stream.indirect_vreg.gather [hbm4b:s1+s4], $0x80, v2, vm0, $0xb8;
	[tilespmem:$0x14300] =	vst v63  }
0x3b: {  	s30 =	simm.s32 $0x8900  }
0x3c: {  	[tilespmem:s30], [sflag:$0x2] =	stream.indirect_vreg.gather [hbm4b:s8+s4], $0x80, v2, vm0, $0xb8;
	[tilespmem:$0x14300] =	vst v63  }
0x3d: {  	s15 =	simm.s32 $0x9100  }
0x3e: {  	[tilespmem:s15], [sflag:$0x2] =	stream.indirect_vreg.gather [hbm4b:s9+s4], $0x80, v2, vm0, $0xb8;
	[tilespmem:$0x14300] =	vst v63  }
0x3f: {  	s16 =	simm.s32 $0x9900  }
0x40: {  	[tilespmem:s16], [sflag:$0x2] =	stream.indirect_vreg.gather [hbm4b:s10+s4], $0x80, v2, vm0, $0xb8;
	[tilespmem:$0x14300] =	vst v63  }
0x41: {  	s26 =	simm.s32 $0xA100  }
0x42: {  	[tilespmem:s26], [sflag:$0x2] =	stream.indirect_vreg.gather [hbm4b:s11+s4], $0x80, v2, vm0, $0xb8;
	[tilespmem:$0x14300] =	vst v63  }
0x43: {  	s28 =	simm.s32 $0xA900  }
0x44: {  	[tilespmem:s28], [sflag:$0x2] =	stream.indirect_vreg.gather [hbm4b:s12+s4], $0x80, v2, vm0, $0xb8;
	[tilespmem:$0x14300] =	vst v63  }
0x45: {  	s29 =	simm.s32 $0xB100  }
0x46: {  	[tilespmem:s29], [sflag:$0x2] =	stream.indirect_vreg.gather [hbm4b:s13+s4], $0x80, v2, vm0, $0xb8;
	[tilespmem:$0x14300] =	vst v63  }
0x47: {  	s30 =	simm.s32 $0xB900;
	s26 =	simm.s32 $0x0  }
0x48: {  	[tilespmem:s30], [sflag:$0x2] =	stream.indirect_vreg.gather [hbm4b:s14+s4], $0x80, v2, vm0, $0xb8;
	[tilespmem:$0x14300] =	vst v63  }
.LBB2_2:
0x49: {  	_ =	swait.ge [sflag:s31], $0x4000  }
0x4a: {  	p0 =	seq.s32 s26, $0x0;
	[sflag:s31] =	ssyncset.done $0x0  }
0x4b: {  	s28 =	sshll.u32 s26, $0x2;
	s6 =	simm.s32 @!p0 $0x7;
	[sflag:s31] =	ssyncadd.s32 $0xFFFFC000  }
0x4c: {  	s29 =	sor.u32 $0x2, s28;
	_ =	swait.ge @!p0 [sflag:s6], $0x4000  }
0x4d: {  	s15 =	sshll.u32 s29, $0x7;
	[sflag:s6] =	ssyncset.done @!p0 $0x0  }
0x4e: {  	s15 =	sand.u32 $0x3FFFFF80, s15;
	[sflag:s6] =	ssyncadd.s32 @!p0 $0xFFFFC000  }
0x4f: {  	v2 =	vld.msk [tilespmem:s15+$0x0], $0x3;
	_ =	sdelay $0x4  }
0x50: {  	v3 =	vshll.u32 v2, $0x6  }
0x51: {  	v2 =	vand.u32 $0x7, v2;
	v3 =	vand.u32 $0xFFFFFE00, v3  }
0x52: {  	v2 =	vor.u32 v2, v3  }
0x53: {  	v2 =	vperm.xlane v2, v0;
	_ =	sdelay $0x1  }
0x54: {  	v2 =	vadd.s32 v1, v2;
	_ =	sdelay $0x4  }
0x55: {  	[tilespmem:s2], [sflag:$0x3] =	stream.indirect_vreg.gather [hbm4b:s1+s4], $0x80, v2, vm0, $0xb8;
	[tilespmem:$0x14300] =	vst v63  }
0x56: {  	s16 =	simm.s32 $0xC900  }
0x57: {  	[tilespmem:s16], [sflag:$0x3] =	stream.indirect_vreg.gather [hbm4b:s8+s4], $0x80, v2, vm0, $0xb8;
	[tilespmem:$0x14300] =	vst v63  }
0x58: {  	s30 =	simm.s32 $0xD100  }
0x59: {  	[tilespmem:s30], [sflag:$0x3] =	stream.indirect_vreg.gather [hbm4b:s9+s4], $0x80, v2, vm0, $0xb8;
	[tilespmem:$0x14300] =	vst v63  }
0x5a: {  	s15 =	simm.s32 $0xD900  }
0x5b: {  	[tilespmem:s15], [sflag:$0x3] =	stream.indirect_vreg.gather [hbm4b:s10+s4], $0x80, v2, vm0, $0xb8;
	[tilespmem:$0x14300] =	vst v63  }
0x5c: {  	s16 =	simm.s32 $0xE100  }
0x5d: {  	[tilespmem:s16], [sflag:$0x3] =	stream.indirect_vreg.gather [hbm4b:s11+s4], $0x80, v2, vm0, $0xb8;
	[tilespmem:$0x14300] =	vst v63  }
0x5e: {  	s30 =	simm.s32 $0xE900  }
0x5f: {  	[tilespmem:s30], [sflag:$0x3] =	stream.indirect_vreg.gather [hbm4b:s12+s4], $0x80, v2, vm0, $0xb8;
	[tilespmem:$0x14300] =	vst v63  }
0x60: {  	s15 =	simm.s32 $0xF100  }
0x61: {  	[tilespmem:s15], [sflag:$0x3] =	stream.indirect_vreg.gather [hbm4b:s13+s4], $0x80, v2, vm0, $0xb8;
	[tilespmem:$0x14300] =	vst v63  }
0x62: {  	s16 =	simm.s32 $0xF900;
	s30 =	simm.s32 $0x4140  }
0x63: {  	[tilespmem:s16], [sflag:$0x3] =	stream.indirect_vreg.gather [hbm4b:s14+s4], $0x80, v2, vm0, $0xb8;
	[tilespmem:$0x14300] =	vst v63  }
0x64: {  	v2 =	vld [tilespmem:s30+$0xFFFFFFC0];
	_ =	sdelay $0x1  }
0x65: {  	v3 =	vld [tilespmem:s30+$0xFFFFFFD0];
	_ =	sdelay $0x1  }
0x66: {  	v4 =	vld [tilespmem:s30+$0xFFFFFFE0]  }
0x67: {  	v2 =	vmul.f32 $1.442695020e+00, v2  }
0x68: {  	v5 =	vld [tilespmem:s30+$0xFFFFFFF0]  }
0x69: {  	v3 =	vmul.f32 $1.442695020e+00, v3;
	(erf) = vpow2.f32 v2  }
0x6a: {  	v6 =	vld [tilespmem:s30+$0x0]  }
0x6b: {  	v2 =	vmul.f32 $1.442695020e+00, v4;
	(erf) = vpow2.f32 v3  }
0x6c: {  	v7 =	vld [tilespmem:s30+$0x10]  }
0x6d: {  	v3 =	vmul.f32 $1.442695020e+00, v5;
	(erf) = vpow2.f32 v2  }
0x6e: {  	v2 =	vld [tilespmem:s30+$0x20]  }
0x6f: {  	v6 =	vmul.f32 $1.442695020e+00, v6;
	(erf) = vpow2.f32 v3  }
0x70: {  	v3 =	vld [tilespmem:s30+$0x30]  }
0x71: {  	s6 =	simm.s32 $0x0;
	s15 =	simm.s32 $0x4240;
	v4 =	vmul.f32 $1.442695020e+00, v7;
	v5 =	vimm.f32 $0.0e+00;
	(erf) = vpow2.f32 v6  }
.LBB2_3:
0x72: {  	v6 =	vld [tilespmem:s15+$0xFFFFFFC0];
	s6 =	sadd.s32 $0x8, s6;
	v7 =	vpop (erf)  }
0x73: {  	p1 =	slt.u32 s6, $0x1F8;
	v5 =	vadd.f32 v7, v5;
	v2 =	vmul.f32 $1.442695020e+00, v2;
	(erf) = vpow2.f32 v4  }
0x74: {  	v4 =	vld [tilespmem:s15+$0xFFFFFFD0];
	v7 =	vpop (erf)  }
0x75: {  	v5 =	vadd.f32 v7, v5;
	v3 =	vmul.f32 $1.442695020e+00, v3;
	(erf) = vpow2.f32 v2  }
0x76: {  	v2 =	vld [tilespmem:s15+$0xFFFFFFE0];
	v7 =	vpop (erf)  }
0x77: {  	v6 =	vmul.f32 $1.442695020e+00, v6;
	v5 =	vadd.f32 v7, v5;
	(erf) = vpow2.f32 v3  }
0x78: {  	v3 =	vld [tilespmem:s15+$0xFFFFFFF0];
	v7 =	vpop (erf)  }
0x79: {  	v4 =	vmul.f32 $1.442695020e+00, v4;
	(erf) = vpow2.f32 v6;
	v5 =	vadd.f32 v7, v5  }
0x7a: {  	v6 =	vld [tilespmem:s15+$0x0];
	v7 =	vpop (erf)  }
0x7b: {  	v2 =	vmul.f32 $1.442695020e+00, v2;
	(erf) = vpow2.f32 v4;
	v4 =	vadd.f32 v7, v5  }
0x7c: {  	v5 =	vld [tilespmem:s15+$0x10];
	v7 =	vpop (erf)  }
.Ltmp0:
0x7d: {  	v3 =	vmul.f32 $1.442695020e+00, v3;
	(erf) = vpow2.f32 v2;
	v4 =	vadd.f32 v7, v4;
	(pc) =	sbr.rel @p1 .LBB2_3-.Ltmp0, $4  }
0x7e: {  	v2 =	vld [tilespmem:s15+$0x20];
	v7 =	vpop (erf)  }
0x7f: {  	v6 =	vmul.f32 $1.442695020e+00, v6;
	(erf) = vpow2.f32 v3;
	v7 =	vadd.f32 v7, v4  }
0x80: {  	v3 =	vld [tilespmem:s15+$0x30];
	v8 =	vpop (erf)  }
0x81: {  	s15 =	sadd.s32 $0x100, s15;
	v4 =	vmul.f32 $1.442695020e+00, v5;
	(erf) = vpow2.f32 v6;
	v5 =	vadd.f32 v8, v7  }
0x82: {  	s30 =	sshll.u32 s26, $0x3  }
0x83: {  	v6 =	vmov s30  }
0x84: {  	v6 =	vbroadcast v6, $0x0  }
0x85: {  	v7 =	vpop (erf)  }
0x86: {  	v5 =	vadd.f32 v7, v5;
	v2 =	vmul.f32 $1.442695020e+00, v2  }
0x87: {  	(erf) = vpow2.f32 v4;
	v4 =	vpop (erf)  }
0x88: {  	v4 =	vadd.f32 v4, v5;
	v3 =	vmul.f32 $1.442695020e+00, v3  }
0x89: {  	(erf) = vpow2.f32 v2  }
0x8a: {  	v2 =	vpop (erf);
	(erf) = vpow2.f32 v3;
	v3 =	vld.idx.msk [tilespmem:v6+s22+$0x0], $0xffff  }
0x8b: {  	v2 =	vadd.f32 v2, v4  }
0x8c: {  	v4 =	vpop (erf)  }
0x8d: {  	v2 =	vadd.f32 v4, v2  }
0x8e: {  	v4 =	vpop (erf)  }
0x8f: {  	v2 =	vadd.f32 v4, v2;
	v5 =	vshll.u32 v3, $0x1  }
0x90: {  	v4 =	vpop (erf)  }
0x91: {  	v2 =	vadd.f32 v4, v2;
	v3 =	vand.u32 $0x7F, v3;
	v4 =	vand.u32 $0xFFFFFF00, v5  }
0x92: {  	v3 =	vor.u32 v3, v4;
	v5 =	vpop (erf)  }
0x93: {  	v2 =	vadd.f32 v5, v2  }
0x94: {  	v4 =	vpop (erf)  }
0x95: {  	v2 =	vadd.f32 v4, v2;
	_ =	sdelay $0x1  }
0x96: {  	(xrf2) =	vadd.scan.msk.f32 $0xffff, v2;
	v2 =	vld.idx.msk [tilespmem:v3+s23+$0x0], $0xffff;
	_ =	sdelay $0x4  }
0x97: {  	(xrf0) =	vmax.scan.msk.f32 $0xffff, v2;
	_ =	sdelay $0x4  }
0x98: {  	v2, _, _ =	vpop (xrf2)  }
0x99: {  	v3, _, _ =	vpop (xrf0);
	v2 =	vbroadcast v2, $0xF  }
0x9a: {  	v3 =	vbroadcast v3, $0xF  }
0x9b: {  	[tilespmem:v6+s7+$0x0] =	vst.idx.msk $0x1, v2  }
0x9c: {  	s15 =	simm.s32 $0x41F0;
	[tilespmem:v6+s18+$0x0] =	vst.idx.msk $0x1, v3  }
0x9d: {  	v2 =	vld [tilespmem:s15+$0xFFFFFF90];
	_ =	sdelay $0x1  }
0x9e: {  	v3 =	vld [tilespmem:s15+$0xFFFFFFA0];
	_ =	sdelay $0x1  }
0x9f: {  	v4 =	vld [tilespmem:s15+$0xFFFFFFB0]  }
0xa0: {  	v2 =	vmul.f32 $1.442695020e+00, v2  }
0xa1: {  	v5 =	vld [tilespmem:s15+$0xFFFFFFC0]  }
0xa2: {  	v3 =	vmul.f32 $1.442695020e+00, v3;
	(erf) = vpow2.f32 v2  }
0xa3: {  	v6 =	vld [tilespmem:s15+$0xFFFFFFD0]  }
0xa4: {  	v2 =	vmul.f32 $1.442695020e+00, v4;
	(erf) = vpow2.f32 v3  }
0xa5: {  	v7 =	vld [tilespmem:s15+$0xFFFFFFE0]  }
0xa6: {  	v3 =	vmul.f32 $1.442695020e+00, v5;
	(erf) = vpow2.f32 v2  }
0xa7: {  	v2 =	vld [tilespmem:s15+$0xFFFFFFF0]  }
0xa8: {  	v6 =	vmul.f32 $1.442695020e+00, v6;
	(erf) = vpow2.f32 v3  }
0xa9: {  	v3 =	vld [tilespmem:s15+$0x0]  }
0xaa: {  	s6 =	simm.s32 $0x0;
	v4 =	vmul.f32 $1.442695020e+00, v7;
	v5 =	vimm.f32 $0.0e+00;
	s15 =	simm.s32 $0x42F0;
	(erf) = vpow2.f32 v6  }
.LBB2_5:
0xab: {  	v6 =	vld [tilespmem:s15+$0xFFFFFF90];
	s6 =	sadd.s32 $0x8, s6;
	v7 =	vpop (erf)  }
0xac: {  	p1 =	slt.u32 s6, $0x1F8;
	v5 =	vadd.f32 v7, v5;
	v2 =	vmul.f32 $1.442695020e+00, v2;
	(erf) = vpow2.f32 v4  }
0xad: {  	v4 =	vld [tilespmem:s15+$0xFFFFFFA0];
	v7 =	vpop (erf)  }
0xae: {  	v5 =	vadd.f32 v7, v5;
	v3 =	vmul.f32 $1.442695020e+00, v3;
	(erf) = vpow2.f32 v2  }
0xaf: {  	v2 =	vld [tilespmem:s15+$0xFFFFFFB0];
	v7 =	vpop (erf)  }
0xb0: {  	v6 =	vmul.f32 $1.442695020e+00, v6;
	v5 =	vadd.f32 v7, v5;
	(erf) = vpow2.f32 v3  }
0xb1: {  	v3 =	vld [tilespmem:s15+$0xFFFFFFC0];
	v7 =	vpop (erf)  }
0xb2: {  	v4 =	vmul.f32 $1.442695020e+00, v4;
	(erf) = vpow2.f32 v6;
	v5 =	vadd.f32 v7, v5  }
0xb3: {  	v6 =	vld [tilespmem:s15+$0xFFFFFFD0];
	v7 =	vpop (erf)  }
0xb4: {  	v2 =	vmul.f32 $1.442695020e+00, v2;
	(erf) = vpow2.f32 v4;
	v4 =	vadd.f32 v7, v5  }
0xb5: {  	v5 =	vld [tilespmem:s15+$0xFFFFFFE0];
	v7 =	vpop (erf)  }
.Ltmp1:
0xb6: {  	v3 =	vmul.f32 $1.442695020e+00, v3;
	(erf) = vpow2.f32 v2;
	v4 =	vadd.f32 v7, v4;
	(pc) =	sbr.rel @p1 .LBB2_5-.Ltmp1, $4  }
0xb7: {  	v2 =	vld [tilespmem:s15+$0xFFFFFFF0];
	v7 =	vpop (erf)  }
0xb8: {  	v6 =	vmul.f32 $1.442695020e+00, v6;
	(erf) = vpow2.f32 v3;
	v7 =	vadd.f32 v7, v4  }
0xb9: {  	v3 =	vld [tilespmem:s15+$0x0];
	v8 =	vpop (erf)  }
0xba: {  	s15 =	sadd.s32 $0x100, s15;
	v4 =	vmul.f32 $1.442695020e+00, v5;
	(erf) = vpow2.f32 v6;
	v5 =	vadd.f32 v8, v7  }
0xbb: {  	s6 =	sor.u32 $0x1, s30  }
0xbc: {  	v6 =	vmov s6  }
0xbd: {  	v6 =	vand.u32 $0xFFFFFFF9, v6  }
0xbe: {  	v6 =	vbroadcast v6, $0x0;
	_ =	sdelay $0x1  }
0xbf: {  	v7 =	vpop (erf);
	v2 =	vmul.f32 $1.442695020e+00, v2  }
0xc0: {  	v5 =	vadd.f32 v7, v5;
	(erf) = vpow2.f32 v4  }
0xc1: {  	v4 =	vpop (erf);
	v3 =	vmul.f32 $1.442695020e+00, v3  }
0xc2: {  	v4 =	vadd.f32 v4, v5;
	(erf) = vpow2.f32 v2  }
0xc3: {  	v2 =	vpop (erf);
	v5 =	vld.idx.msk [tilespmem:v6+s22+$0x0], $0xffff  }
0xc4: {  	(erf) = vpow2.f32 v3;
	v2 =	vadd.f32 v2, v4  }
0xc5: {  	v3 =	vpop (erf)  }
0xc6: {  	v2 =	vadd.f32 v3, v2  }
0xc7: {  	v3 =	vpop (erf)  }
0xc8: {  	v2 =	vadd.f32 v3, v2;
	v3 =	vshll.u32 v5, $0x1  }
0xc9: {  	v4 =	vpop (erf);
	v5 =	vand.u32 $0x7F, v5;
	v3 =	vand.u32 $0xFFFFFF00, v3  }
0xca: {  	v2 =	vadd.f32 v4, v2;
	v3 =	vor.u32 v3, v5  }
0xcb: {  	v4 =	vpop (erf);
	v3 =	vor.u32 $0x80, v3  }
0xcc: {  	v2 =	vadd.f32 v4, v2  }
0xcd: {  	v4 =	vpop (erf)  }
0xce: {  	v2 =	vadd.f32 v4, v2;
	_ =	sdelay $0x1  }
0xcf: {  	(xrf2) =	vadd.scan.msk.f32 $0xffff, v2;
	v2 =	vld.idx.msk [tilespmem:v3+s23+$0x0], $0xffff;
	_ =	sdelay $0x4  }
0xd0: {  	(xrf0) =	vmax.scan.msk.f32 $0xffff, v2;
	_ =	sdelay $0x4  }
0xd1: {  	v2, _, _ =	vpop (xrf2)  }
0xd2: {  	v2 =	vbroadcast v2, $0xF;
	v3, _, _ =	vpop (xrf0)  }
0xd3: {  	s15 =	sadd.s32 s5, s30;
	v3 =	vbroadcast v3, $0xF  }
0xd4: {  	s6 =	sshll.u32 s15, $0xA;
	s15 =	rddreg [dreg:$0x2];
	[tilespmem:v6+s7+$0x0] =	vst.idx.msk $0x1, v2  }
0xd5: {  	s15 =	sadd.s32 s15, s6;
	[tilespmem:v6+s18+$0x0] =	vst.idx.msk $0x1, v3  }
0xd6: {  	[hbm4b:s15+s19] =	stream.strided.scatter [tilespmem:s23], [sflag:$0x5], $0x4000, s20, s19, $0x38;
	[tilespmem:$0x14300] =	vst v63  }
0xd7: {  	_ =	swait.ge [sflag:s21], $0x4000  }
0xd8: {  	[sflag:s21] =	ssyncset.done $0x0  }
0xd9: {  	s15 =	simm.s32 @!p0 $0x8;
	[sflag:s21] =	ssyncadd.s32 $0xFFFFC000  }
0xda: {  	s28 =	sor.u32 $0x3, s28;
	_ =	swait.ge @!p0 [sflag:s15], $0x4000  }
0xdb: {  	s16 =	sshll.u32 s28, $0x7;
	[sflag:s15] =	ssyncset.done @!p0 $0x0  }
0xdc: {  	s16 =	sand.u32 $0x3FFFFF80, s16;
	[sflag:s15] =	ssyncadd.s32 @!p0 $0xFFFFC000  }
0xdd: {  	v2 =	vld.msk [tilespmem:s16+$0x0], $0x3;
	_ =	sdelay $0x4  }
0xde: {  	v3 =	vshll.u32 v2, $0x6  }
0xdf: {  	v2 =	vand.u32 $0x7, v2;
	v3 =	vand.u32 $0xFFFFFE00, v3  }
0xe0: {  	v2 =	vor.u32 v2, v3  }
0xe1: {  	v2 =	vperm.xlane v2, v0;
	_ =	sdelay $0x1  }
0xe2: {  	v2 =	vadd.s32 v1, v2;
	_ =	sdelay $0x4  }
0xe3: {  	[tilespmem:s3], [sflag:$0x4] =	stream.indirect_vreg.gather [hbm4b:s1+s4], $0x80, v2, vm0, $0xb8;
	[tilespmem:$0x14300] =	vst v63  }
0xe4: {  	s16 =	simm.s32 $0x10900  }
0xe5: {  	[tilespmem:s16], [sflag:$0x4] =	stream.indirect_vreg.gather [hbm4b:s8+s4], $0x80, v2, vm0, $0xb8;
	[tilespmem:$0x14300] =	vst v63  }
0xe6: {  	s16 =	simm.s32 $0x11100  }
0xe7: {  	[tilespmem:s16], [sflag:$0x4] =	stream.indirect_vreg.gather [hbm4b:s9+s4], $0x80, v2, vm0, $0xb8;
	[tilespmem:$0x14300] =	vst v63  }
0xe8: {  	s16 =	simm.s32 $0x11900  }
0xe9: {  	[tilespmem:s16], [sflag:$0x4] =	stream.indirect_vreg.gather [hbm4b:s10+s4], $0x80, v2, vm0, $0xb8;
	[tilespmem:$0x14300] =	vst v63  }
0xea: {  	s16 =	simm.s32 $0x12100  }
0xeb: {  	[tilespmem:s16], [sflag:$0x4] =	stream.indirect_vreg.gather [hbm4b:s11+s4], $0x80, v2, vm0, $0xb8;
	[tilespmem:$0x14300] =	vst v63  }
0xec: {  	s16 =	simm.s32 $0x12900  }
0xed: {  	[tilespmem:s16], [sflag:$0x4] =	stream.indirect_vreg.gather [hbm4b:s12+s4], $0x80, v2, vm0, $0xb8;
	[tilespmem:$0x14300] =	vst v63  }
0xee: {  	s16 =	simm.s32 $0x13100  }
0xef: {  	[tilespmem:s16], [sflag:$0x4] =	stream.indirect_vreg.gather [hbm4b:s13+s4], $0x80, v2, vm0, $0xb8;
	[tilespmem:$0x14300] =	vst v63  }
0xf0: {  	s16 =	simm.s32 $0x13900  }
0xf1: {  	[tilespmem:s16], [sflag:$0x4] =	stream.indirect_vreg.gather [hbm4b:s14+s4], $0x80, v2, vm0, $0xb8;
	[tilespmem:$0x14300] =	vst v63  }
0xf2: {  	s16 =	simm.s32 $0x8140  }
0xf3: {  	v2 =	vld [tilespmem:s16+$0xFFFFFFC0];
	_ =	sdelay $0x1  }
0xf4: {  	v3 =	vld [tilespmem:s16+$0xFFFFFFD0];
	_ =	sdelay $0x1  }
0xf5: {  	v4 =	vld [tilespmem:s16+$0xFFFFFFE0]  }
0xf6: {  	v2 =	vmul.f32 $1.442695020e+00, v2  }
0xf7: {  	v5 =	vld [tilespmem:s16+$0xFFFFFFF0]  }
0xf8: {  	v3 =	vmul.f32 $1.442695020e+00, v3;
	(erf) = vpow2.f32 v2  }
0xf9: {  	v6 =	vld [tilespmem:s16+$0x0]  }
0xfa: {  	v2 =	vmul.f32 $1.442695020e+00, v4;
	(erf) = vpow2.f32 v3  }
0xfb: {  	v7 =	vld [tilespmem:s16+$0x10]  }
0xfc: {  	v3 =	vmul.f32 $1.442695020e+00, v5;
	(erf) = vpow2.f32 v2  }
0xfd: {  	v2 =	vld [tilespmem:s16+$0x20]  }
0xfe: {  	v6 =	vmul.f32 $1.442695020e+00, v6;
	(erf) = vpow2.f32 v3  }
0xff: {  	v3 =	vld [tilespmem:s16+$0x30]  }
0x100: {  	s15 =	simm.s32 $0x0;
	v4 =	vmul.f32 $1.442695020e+00, v7;
	v5 =	vimm.f32 $0.0e+00;
	s16 =	simm.s32 $0x8240;
	(erf) = vpow2.f32 v6  }
.LBB2_7:
0x101: {  	v6 =	vld [tilespmem:s16+$0xFFFFFFC0];
	s15 =	sadd.s32 $0x8, s15;
	v7 =	vpop (erf)  }
0x102: {  	p0 =	slt.u32 s15, $0x1F8;
	v5 =	vadd.f32 v7, v5;
	v2 =	vmul.f32 $1.442695020e+00, v2;
	(erf) = vpow2.f32 v4  }
0x103: {  	v4 =	vld [tilespmem:s16+$0xFFFFFFD0];
	v7 =	vpop (erf)  }
0x104: {  	v5 =	vadd.f32 v7, v5;
	v3 =	vmul.f32 $1.442695020e+00, v3;
	(erf) = vpow2.f32 v2  }
0x105: {  	v2 =	vld [tilespmem:s16+$0xFFFFFFE0];
	v7 =	vpop (erf)  }
0x106: {  	v6 =	vmul.f32 $1.442695020e+00, v6;
	v5 =	vadd.f32 v7, v5;
	(erf) = vpow2.f32 v3  }
0x107: {  	v3 =	vld [tilespmem:s16+$0xFFFFFFF0];
	v7 =	vpop (erf)  }
0x108: {  	v4 =	vmul.f32 $1.442695020e+00, v4;
	(erf) = vpow2.f32 v6;
	v5 =	vadd.f32 v7, v5  }
0x109: {  	v6 =	vld [tilespmem:s16+$0x0];
	v7 =	vpop (erf)  }
0x10a: {  	v2 =	vmul.f32 $1.442695020e+00, v2;
	(erf) = vpow2.f32 v4;
	v4 =	vadd.f32 v7, v5  }
0x10b: {  	v5 =	vld [tilespmem:s16+$0x10];
	v7 =	vpop (erf)  }
.Ltmp2:
0x10c: {  	v3 =	vmul.f32 $1.442695020e+00, v3;
	(erf) = vpow2.f32 v2;
	v4 =	vadd.f32 v7, v4;
	(pc) =	sbr.rel @p0 .LBB2_7-.Ltmp2, $4  }
0x10d: {  	v2 =	vld [tilespmem:s16+$0x20];
	v7 =	vpop (erf)  }
0x10e: {  	v6 =	vmul.f32 $1.442695020e+00, v6;
	(erf) = vpow2.f32 v3;
	v7 =	vadd.f32 v7, v4  }
0x10f: {  	v3 =	vld [tilespmem:s16+$0x30];
	v8 =	vpop (erf)  }
0x110: {  	s16 =	sadd.s32 $0x100, s16;
	v4 =	vmul.f32 $1.442695020e+00, v5;
	(erf) = vpow2.f32 v6;
	v5 =	vadd.f32 v8, v7  }
0x111: {  	s15 =	sor.u32 $0x2, s30  }
0x112: {  	v6 =	vmov s15  }
0x113: {  	v6 =	vand.u32 $0xFFFFFFFA, v6  }
0x114: {  	v6 =	vbroadcast v6, $0x0  }
0x115: {  	v7 =	vpop (erf)  }
0x116: {  	v5 =	vadd.f32 v7, v5;
	v2 =	vmul.f32 $1.442695020e+00, v2  }
0x117: {  	(erf) = vpow2.f32 v4;
	v4 =	vpop (erf)  }
0x118: {  	v4 =	vadd.f32 v4, v5;
	v3 =	vmul.f32 $1.442695020e+00, v3  }
0x119: {  	(erf) = vpow2.f32 v2  }
0x11a: {  	v2 =	vpop (erf);
	(erf) = vpow2.f32 v3;
	v3 =	vld.idx.msk [tilespmem:v6+s22+$0x0], $0xffff  }
0x11b: {  	v2 =	vadd.f32 v2, v4  }
0x11c: {  	v4 =	vpop (erf)  }
0x11d: {  	v2 =	vadd.f32 v4, v2  }
0x11e: {  	v4 =	vpop (erf)  }
0x11f: {  	v2 =	vadd.f32 v4, v2;
	v5 =	vshll.u32 v3, $0x1  }
0x120: {  	v4 =	vpop (erf)  }
0x121: {  	v2 =	vadd.f32 v4, v2;
	v3 =	vand.u32 $0x7F, v3;
	v4 =	vand.u32 $0xFFFFFF00, v5  }
0x122: {  	v3 =	vor.u32 v3, v4;
	v5 =	vpop (erf)  }
0x123: {  	v2 =	vadd.f32 v5, v2  }
0x124: {  	v4 =	vpop (erf)  }
0x125: {  	v2 =	vadd.f32 v4, v2;
	_ =	sdelay $0x1  }
0x126: {  	(xrf2) =	vadd.scan.msk.f32 $0xffff, v2;
	v2 =	vld.idx.msk [tilespmem:v3+s0+$0x0], $0xffff;
	_ =	sdelay $0x4  }
0x127: {  	(xrf0) =	vmax.scan.msk.f32 $0xffff, v2;
	_ =	sdelay $0x4  }
0x128: {  	v2, _, _ =	vpop (xrf2)  }
0x129: {  	v3, _, _ =	vpop (xrf0);
	v2 =	vbroadcast v2, $0xF  }
0x12a: {  	v3 =	vbroadcast v3, $0xF  }
0x12b: {  	[tilespmem:v6+s7+$0x0] =	vst.idx.msk $0x1, v2  }
0x12c: {  	s16 =	simm.s32 $0x81F0;
	[tilespmem:v6+s18+$0x0] =	vst.idx.msk $0x1, v3  }
0x12d: {  	v2 =	vld [tilespmem:s16+$0xFFFFFF90];
	_ =	sdelay $0x1  }
0x12e: {  	v3 =	vld [tilespmem:s16+$0xFFFFFFA0];
	_ =	sdelay $0x1  }
0x12f: {  	v4 =	vld [tilespmem:s16+$0xFFFFFFB0]  }
0x130: {  	v2 =	vmul.f32 $1.442695020e+00, v2  }
0x131: {  	v5 =	vld [tilespmem:s16+$0xFFFFFFC0]  }
0x132: {  	v3 =	vmul.f32 $1.442695020e+00, v3;
	(erf) = vpow2.f32 v2  }
0x133: {  	v6 =	vld [tilespmem:s16+$0xFFFFFFD0]  }
0x134: {  	v2 =	vmul.f32 $1.442695020e+00, v4;
	(erf) = vpow2.f32 v3  }
0x135: {  	v7 =	vld [tilespmem:s16+$0xFFFFFFE0]  }
0x136: {  	v3 =	vmul.f32 $1.442695020e+00, v5;
	(erf) = vpow2.f32 v2  }
0x137: {  	v2 =	vld [tilespmem:s16+$0xFFFFFFF0]  }
0x138: {  	v6 =	vmul.f32 $1.442695020e+00, v6;
	(erf) = vpow2.f32 v3  }
0x139: {  	v3 =	vld [tilespmem:s16+$0x0]  }
0x13a: {  	s15 =	simm.s32 $0x0;
	v4 =	vmul.f32 $1.442695020e+00, v7;
	v5 =	vimm.f32 $0.0e+00;
	s16 =	simm.s32 $0x82F0;
	(erf) = vpow2.f32 v6  }
.LBB2_9:
0x13b: {  	v6 =	vld [tilespmem:s16+$0xFFFFFF90];
	s15 =	sadd.s32 $0x8, s15;
	v7 =	vpop (erf)  }
0x13c: {  	p0 =	slt.u32 s15, $0x1F8;
	v5 =	vadd.f32 v7, v5;
	v2 =	vmul.f32 $1.442695020e+00, v2;
	(erf) = vpow2.f32 v4  }
0x13d: {  	v4 =	vld [tilespmem:s16+$0xFFFFFFA0];
	v7 =	vpop (erf)  }
0x13e: {  	v5 =	vadd.f32 v7, v5;
	v3 =	vmul.f32 $1.442695020e+00, v3;
	(erf) = vpow2.f32 v2  }
0x13f: {  	v2 =	vld [tilespmem:s16+$0xFFFFFFB0];
	v7 =	vpop (erf)  }
0x140: {  	v6 =	vmul.f32 $1.442695020e+00, v6;
	v5 =	vadd.f32 v7, v5;
	(erf) = vpow2.f32 v3  }
0x141: {  	v3 =	vld [tilespmem:s16+$0xFFFFFFC0];
	v7 =	vpop (erf)  }
0x142: {  	v4 =	vmul.f32 $1.442695020e+00, v4;
	(erf) = vpow2.f32 v6;
	v5 =	vadd.f32 v7, v5  }
0x143: {  	v6 =	vld [tilespmem:s16+$0xFFFFFFD0];
	v7 =	vpop (erf)  }
0x144: {  	v2 =	vmul.f32 $1.442695020e+00, v2;
	(erf) = vpow2.f32 v4;
	v4 =	vadd.f32 v7, v5  }
0x145: {  	v5 =	vld [tilespmem:s16+$0xFFFFFFE0];
	v7 =	vpop (erf)  }
.Ltmp3:
0x146: {  	v3 =	vmul.f32 $1.442695020e+00, v3;
	(erf) = vpow2.f32 v2;
	v4 =	vadd.f32 v7, v4;
	(pc) =	sbr.rel @p0 .LBB2_9-.Ltmp3, $4  }
0x147: {  	v2 =	vld [tilespmem:s16+$0xFFFFFFF0];
	v7 =	vpop (erf)  }
0x148: {  	v6 =	vmul.f32 $1.442695020e+00, v6;
	(erf) = vpow2.f32 v3;
	v7 =	vadd.f32 v7, v4  }
0x149: {  	v3 =	vld [tilespmem:s16+$0x0];
	v8 =	vpop (erf)  }
0x14a: {  	s16 =	sadd.s32 $0x100, s16;
	v4 =	vmul.f32 $1.442695020e+00, v5;
	(erf) = vpow2.f32 v6;
	v5 =	vadd.f32 v8, v7  }
0x14b: {  	s15 =	sor.u32 $0x3, s30  }
0x14c: {  	v6 =	vmov s15  }
0x14d: {  	v6 =	vand.u32 $0xFFFFFFFB, v6  }
0x14e: {  	v6 =	vbroadcast v6, $0x0;
	_ =	sdelay $0x1  }
0x14f: {  	v7 =	vpop (erf);
	v2 =	vmul.f32 $1.442695020e+00, v2  }
0x150: {  	v5 =	vadd.f32 v7, v5;
	(erf) = vpow2.f32 v4  }
0x151: {  	v4 =	vpop (erf);
	v3 =	vmul.f32 $1.442695020e+00, v3  }
0x152: {  	v4 =	vadd.f32 v4, v5;
	(erf) = vpow2.f32 v2  }
0x153: {  	v2 =	vpop (erf);
	v5 =	vld.idx.msk [tilespmem:v6+s22+$0x0], $0xffff  }
0x154: {  	(erf) = vpow2.f32 v3;
	v2 =	vadd.f32 v2, v4  }
0x155: {  	v3 =	vpop (erf)  }
0x156: {  	v2 =	vadd.f32 v3, v2  }
0x157: {  	v3 =	vpop (erf)  }
0x158: {  	v2 =	vadd.f32 v3, v2;
	v3 =	vshll.u32 v5, $0x1  }
0x159: {  	v4 =	vpop (erf);
	v5 =	vand.u32 $0x7F, v5;
	v3 =	vand.u32 $0xFFFFFF00, v3  }
0x15a: {  	v2 =	vadd.f32 v4, v2;
	v3 =	vor.u32 v3, v5  }
0x15b: {  	v4 =	vpop (erf);
	v3 =	vor.u32 $0x80, v3  }
0x15c: {  	v2 =	vadd.f32 v4, v2  }
0x15d: {  	v4 =	vpop (erf)  }
0x15e: {  	v2 =	vadd.f32 v4, v2;
	_ =	sdelay $0x1  }
0x15f: {  	(xrf2) =	vadd.scan.msk.f32 $0xffff, v2;
	v2 =	vld.idx.msk [tilespmem:v3+s0+$0x0], $0xffff;
	_ =	sdelay $0x4  }
0x160: {  	(xrf0) =	vmax.scan.msk.f32 $0xffff, v2;
	_ =	sdelay $0x4  }
0x161: {  	v2, _, _ =	vpop (xrf2)  }
0x162: {  	v2 =	vbroadcast v2, $0xF;
	v3, _, _ =	vpop (xrf0)  }
0x163: {  	v3 =	vbroadcast v3, $0xF  }
0x164: {  	s16 =	rddreg [dreg:$0x6];
	[tilespmem:v6+s7+$0x0] =	vst.idx.msk $0x1, v2  }
0x165: {  	s6 =	sadd.s32 s6, s16;
	[tilespmem:v6+s18+$0x0] =	vst.idx.msk $0x1, v3  }
0x166: {  	[hbm4b:s6+s19] =	stream.strided.scatter [tilespmem:s0], [sflag:$0x6], $0x4000, s20, s19, $0x38;
	[tilespmem:$0x14300] =	vst v63  }
0x167: {  	_ =	swait.ge [sflag:s24], $0x4000  }
0x168: {  	p0 =	seq.s32 s26, $0x1F;
	[sflag:s24] =	ssyncset.done $0x0  }
0x169: {  	s6 =	simm.s32 @!p0 $0x5;
	[sflag:s24] =	ssyncadd.s32 $0xFFFFC000  }
0x16a: {  	_ =	swait.ge @!p0 [sflag:s6], $0x4000  }
0x16b: {  	s15 =	sshll.u32 @!p0 s26, $0x9;
	[sflag:s6] =	ssyncset.done @!p0 $0x0  }
0x16c: {  	s30 =	sand.u32 @!p0 $0x3FFFFE00, s15;
	[sflag:s6] =	ssyncadd.s32 @!p0 $0xFFFFC000  }
0x16d: {  	v2 =	vld.msk @!p0 [tilespmem:s30+$0x200], $0x3;
	_ =	sdelay $0x4  }
0x16e: {  	v3 =	vshll.u32 @!p0 v2, $0x6  }
0x16f: {  	v4 =	vlaneseq.u32 @!p0;
	v2 =	vand.u32 @!p0 $0x7, v2;
	v3 =	vand.u32 @!p0 $0xFFFFFE00, v3  }
0x170: {  	v2 =	vor.u32 @!p0 v2, v3;
	v3 =	vand.u32 @!p0 $0x1, v4;
	v4 =	vshrl.u32 @!p0 v4, $0x1  }
0x171: {  	v2 =	vperm.xlane @!p0 v2, v3;
	v3 =	vmul.u32 @!p0 $0x8, v4;
	_ =	sdelay $0x1  }
0x172: {  	v2 =	vadd.s32 @!p0 v3, v2;
	_ =	sdelay $0x3  }
0x173: {  	vm1 =	vmmov @!p0 $0xffff;
	s15 =	simm.s32 @!p0 $0x4100;
	s6 =	simm.s32 @!p0 $0x0  }
0x174: {  	[tilespmem:s15], [sflag:$0x1] =	stream.indirect_vreg.gather @!p0 [hbm4b:s1+s6], $0x80, v2, vm1, $0xb8;
	[tilespmem:$0x14300] =	vst v63  }
0x175: {  	s15 =	simm.s32 @!p0 $0x4900  }
0x176: {  	[tilespmem:s15], [sflag:$0x1] =	stream.indirect_vreg.gather @!p0 [hbm4b:s8+s6], $0x80, v2, vm1, $0xb8;
	[tilespmem:$0x14300] =	vst v63  }
0x177: {  	s15 =	simm.s32 @!p0 $0x5100  }
0x178: {  	[tilespmem:s15], [sflag:$0x1] =	stream.indirect_vreg.gather @!p0 [hbm4b:s9+s6], $0x80, v2, vm1, $0xb8;
	[tilespmem:$0x14300] =	vst v63  }
0x179: {  	s15 =	simm.s32 @!p0 $0x5900  }
0x17a: {  	[tilespmem:s15], [sflag:$0x1] =	stream.indirect_vreg.gather @!p0 [hbm4b:s10+s6], $0x80, v2, vm1, $0xb8;
	[tilespmem:$0x14300] =	vst v63  }
0x17b: {  	s15 =	simm.s32 @!p0 $0x6100  }
0x17c: {  	[tilespmem:s15], [sflag:$0x1] =	stream.indirect_vreg.gather @!p0 [hbm4b:s11+s6], $0x80, v2, vm1, $0xb8;
	[tilespmem:$0x14300] =	vst v63  }
0x17d: {  	s15 =	simm.s32 @!p0 $0x6900  }
0x17e: {  	[tilespmem:s15], [sflag:$0x1] =	stream.indirect_vreg.gather @!p0 [hbm4b:s12+s6], $0x80, v2, vm1, $0xb8;
	[tilespmem:$0x14300] =	vst v63  }
0x17f: {  	s15 =	simm.s32 @!p0 $0x7100  }
0x180: {  	[tilespmem:s15], [sflag:$0x1] =	stream.indirect_vreg.gather @!p0 [hbm4b:s13+s6], $0x80, v2, vm1, $0xb8;
	[tilespmem:$0x14300] =	vst v63  }
0x181: {  	s16 =	simm.s32 $0xC140;
	s15 =	simm.s32 @!p0 $0x7900  }
0x182: {  	[tilespmem:s15], [sflag:$0x1] =	stream.indirect_vreg.gather @!p0 [hbm4b:s14+s6], $0x80, v2, vm1, $0xb8;
	[tilespmem:$0x14300] =	vst v63  }
0x183: {  	v2 =	vld [tilespmem:s16+$0xFFFFFFC0];
	_ =	sdelay $0x1  }
0x184: {  	v3 =	vld [tilespmem:s16+$0xFFFFFFD0];
	_ =	sdelay $0x1  }
0x185: {  	v4 =	vld [tilespmem:s16+$0xFFFFFFE0]  }
0x186: {  	v2 =	vmul.f32 $1.442695020e+00, v2  }
0x187: {  	v5 =	vld [tilespmem:s16+$0xFFFFFFF0]  }
0x188: {  	v3 =	vmul.f32 $1.442695020e+00, v3;
	(erf) = vpow2.f32 v2  }
0x189: {  	v6 =	vld [tilespmem:s16+$0x0]  }
0x18a: {  	v2 =	vmul.f32 $1.442695020e+00, v4;
	(erf) = vpow2.f32 v3  }
0x18b: {  	v7 =	vld [tilespmem:s16+$0x10]  }
0x18c: {  	v3 =	vmul.f32 $1.442695020e+00, v5;
	(erf) = vpow2.f32 v2  }
0x18d: {  	v2 =	vld [tilespmem:s16+$0x20]  }
0x18e: {  	v6 =	vmul.f32 $1.442695020e+00, v6;
	(erf) = vpow2.f32 v3  }
0x18f: {  	v3 =	vld [tilespmem:s16+$0x30]  }
0x190: {  	s6 =	simm.s32 $0x0;
	s15 =	simm.s32 $0xC240;
	v4 =	vmul.f32 $1.442695020e+00, v7;
	v5 =	vimm.f32 $0.0e+00;
	(erf) = vpow2.f32 v6  }
.LBB2_11:
0x191: {  	v6 =	vld [tilespmem:s15+$0xFFFFFFC0];
	s6 =	sadd.s32 $0x8, s6;
	v7 =	vpop (erf)  }
0x192: {  	p1 =	slt.u32 s6, $0x1F8;
	v5 =	vadd.f32 v7, v5;
	v2 =	vmul.f32 $1.442695020e+00, v2;
	(erf) = vpow2.f32 v4  }
0x193: {  	v4 =	vld [tilespmem:s15+$0xFFFFFFD0];
	v7 =	vpop (erf)  }
0x194: {  	v5 =	vadd.f32 v7, v5;
	v3 =	vmul.f32 $1.442695020e+00, v3;
	(erf) = vpow2.f32 v2  }
0x195: {  	v2 =	vld [tilespmem:s15+$0xFFFFFFE0];
	v7 =	vpop (erf)  }
0x196: {  	v6 =	vmul.f32 $1.442695020e+00, v6;
	v5 =	vadd.f32 v7, v5;
	(erf) = vpow2.f32 v3  }
0x197: {  	v3 =	vld [tilespmem:s15+$0xFFFFFFF0];
	v7 =	vpop (erf)  }
0x198: {  	v4 =	vmul.f32 $1.442695020e+00, v4;
	(erf) = vpow2.f32 v6;
	v5 =	vadd.f32 v7, v5  }
0x199: {  	v6 =	vld [tilespmem:s15+$0x0];
	v7 =	vpop (erf)  }
0x19a: {  	v2 =	vmul.f32 $1.442695020e+00, v2;
	(erf) = vpow2.f32 v4;
	v4 =	vadd.f32 v7, v5  }
0x19b: {  	v5 =	vld [tilespmem:s15+$0x10];
	v7 =	vpop (erf)  }
.Ltmp4:
0x19c: {  	v3 =	vmul.f32 $1.442695020e+00, v3;
	(erf) = vpow2.f32 v2;
	v4 =	vadd.f32 v7, v4;
	(pc) =	sbr.rel @p1 .LBB2_11-.Ltmp4, $4  }
0x19d: {  	v2 =	vld [tilespmem:s15+$0x20];
	v7 =	vpop (erf)  }
0x19e: {  	v6 =	vmul.f32 $1.442695020e+00, v6;
	(erf) = vpow2.f32 v3;
	v7 =	vadd.f32 v7, v4  }
0x19f: {  	v3 =	vld [tilespmem:s15+$0x30];
	v8 =	vpop (erf)  }
0x1a0: {  	s15 =	sadd.s32 $0x100, s15;
	v4 =	vmul.f32 $1.442695020e+00, v5;
	(erf) = vpow2.f32 v6;
	v5 =	vadd.f32 v8, v7  }
0x1a1: {  	s6 =	sshll.u32 s29, $0x1  }
0x1a2: {  	v6 =	vmov s6  }
0x1a3: {  	v6 =	vand.u32 $0xFFFFFFFC, v6  }
0x1a4: {  	v6 =	vbroadcast v6, $0x0  }
0x1a5: {  	v7 =	vpop (erf)  }
0x1a6: {  	v5 =	vadd.f32 v7, v5;
	v2 =	vmul.f32 $1.442695020e+00, v2  }
0x1a7: {  	(erf) = vpow2.f32 v4;
	v4 =	vpop (erf)  }
0x1a8: {  	v4 =	vadd.f32 v4, v5;
	v3 =	vmul.f32 $1.442695020e+00, v3  }
0x1a9: {  	(erf) = vpow2.f32 v2  }
0x1aa: {  	v2 =	vpop (erf);
	(erf) = vpow2.f32 v3;
	v3 =	vld.idx.msk [tilespmem:v6+s22+$0x0], $0xffff  }
0x1ab: {  	v2 =	vadd.f32 v2, v4  }
0x1ac: {  	v4 =	vpop (erf)  }
0x1ad: {  	v2 =	vadd.f32 v4, v2  }
0x1ae: {  	v4 =	vpop (erf)  }
0x1af: {  	v2 =	vadd.f32 v4, v2;
	v5 =	vshll.u32 v3, $0x1  }
0x1b0: {  	v4 =	vpop (erf)  }
0x1b1: {  	v2 =	vadd.f32 v4, v2;
	v3 =	vand.u32 $0x7F, v3;
	v4 =	vand.u32 $0xFFFFFF00, v5  }
0x1b2: {  	v3 =	vor.u32 v3, v4;
	v5 =	vpop (erf)  }
0x1b3: {  	v2 =	vadd.f32 v5, v2  }
0x1b4: {  	v4 =	vpop (erf)  }
0x1b5: {  	v2 =	vadd.f32 v4, v2;
	_ =	sdelay $0x1  }
0x1b6: {  	(xrf2) =	vadd.scan.msk.f32 $0xffff, v2;
	v2 =	vld.idx.msk [tilespmem:v3+s2+$0x0], $0xffff;
	_ =	sdelay $0x4  }
0x1b7: {  	(xrf0) =	vmax.scan.msk.f32 $0xffff, v2;
	_ =	sdelay $0x4  }
0x1b8: {  	v2, _, _ =	vpop (xrf2)  }
0x1b9: {  	v3, _, _ =	vpop (xrf0);
	v2 =	vbroadcast v2, $0xF  }
0x1ba: {  	v3 =	vbroadcast v3, $0xF  }
0x1bb: {  	[tilespmem:v6+s7+$0x0] =	vst.idx.msk $0x1, v2  }
0x1bc: {  	s16 =	simm.s32 $0xC1F0;
	[tilespmem:v6+s18+$0x0] =	vst.idx.msk $0x1, v3  }
0x1bd: {  	v2 =	vld [tilespmem:s16+$0xFFFFFF90];
	_ =	sdelay $0x1  }
0x1be: {  	v3 =	vld [tilespmem:s16+$0xFFFFFFA0];
	_ =	sdelay $0x1  }
0x1bf: {  	v4 =	vld [tilespmem:s16+$0xFFFFFFB0]  }
0x1c0: {  	v2 =	vmul.f32 $1.442695020e+00, v2  }
0x1c1: {  	v5 =	vld [tilespmem:s16+$0xFFFFFFC0]  }
0x1c2: {  	v3 =	vmul.f32 $1.442695020e+00, v3;
	(erf) = vpow2.f32 v2  }
0x1c3: {  	v6 =	vld [tilespmem:s16+$0xFFFFFFD0]  }
0x1c4: {  	v2 =	vmul.f32 $1.442695020e+00, v4;
	(erf) = vpow2.f32 v3  }
0x1c5: {  	v7 =	vld [tilespmem:s16+$0xFFFFFFE0]  }
0x1c6: {  	v3 =	vmul.f32 $1.442695020e+00, v5;
	(erf) = vpow2.f32 v2  }
0x1c7: {  	v2 =	vld [tilespmem:s16+$0xFFFFFFF0]  }
0x1c8: {  	v6 =	vmul.f32 $1.442695020e+00, v6;
	(erf) = vpow2.f32 v3  }
0x1c9: {  	v3 =	vld [tilespmem:s16+$0x0]  }
0x1ca: {  	s15 =	simm.s32 $0x0;
	v4 =	vmul.f32 $1.442695020e+00, v7;
	v5 =	vimm.f32 $0.0e+00;
	s16 =	simm.s32 $0xC2F0;
	(erf) = vpow2.f32 v6  }
.LBB2_13:
0x1cb: {  	v6 =	vld [tilespmem:s16+$0xFFFFFF90];
	s15 =	sadd.s32 $0x8, s15;
	v7 =	vpop (erf)  }
0x1cc: {  	p1 =	slt.u32 s15, $0x1F8;
	v5 =	vadd.f32 v7, v5;
	v2 =	vmul.f32 $1.442695020e+00, v2;
	(erf) = vpow2.f32 v4  }
0x1cd: {  	v4 =	vld [tilespmem:s16+$0xFFFFFFA0];
	v7 =	vpop (erf)  }
0x1ce: {  	v5 =	vadd.f32 v7, v5;
	v3 =	vmul.f32 $1.442695020e+00, v3;
	(erf) = vpow2.f32 v2  }
0x1cf: {  	v2 =	vld [tilespmem:s16+$0xFFFFFFB0];
	v7 =	vpop (erf)  }
0x1d0: {  	v6 =	vmul.f32 $1.442695020e+00, v6;
	v5 =	vadd.f32 v7, v5;
	(erf) = vpow2.f32 v3  }
0x1d1: {  	v3 =	vld [tilespmem:s16+$0xFFFFFFC0];
	v7 =	vpop (erf)  }
0x1d2: {  	v4 =	vmul.f32 $1.442695020e+00, v4;
	(erf) = vpow2.f32 v6;
	v5 =	vadd.f32 v7, v5  }
0x1d3: {  	v6 =	vld [tilespmem:s16+$0xFFFFFFD0];
	v7 =	vpop (erf)  }
0x1d4: {  	v2 =	vmul.f32 $1.442695020e+00, v2;
	(erf) = vpow2.f32 v4;
	v4 =	vadd.f32 v7, v5  }
0x1d5: {  	v5 =	vld [tilespmem:s16+$0xFFFFFFE0];
	v7 =	vpop (erf)  }
.Ltmp5:
0x1d6: {  	v3 =	vmul.f32 $1.442695020e+00, v3;
	(erf) = vpow2.f32 v2;
	v4 =	vadd.f32 v7, v4;
	(pc) =	sbr.rel @p1 .LBB2_13-.Ltmp5, $4  }
0x1d7: {  	v2 =	vld [tilespmem:s16+$0xFFFFFFF0];
	v7 =	vpop (erf)  }
0x1d8: {  	v6 =	vmul.f32 $1.442695020e+00, v6;
	(erf) = vpow2.f32 v3;
	v7 =	vadd.f32 v7, v4  }
0x1d9: {  	v3 =	vld [tilespmem:s16+$0x0];
	v8 =	vpop (erf)  }
0x1da: {  	s16 =	sadd.s32 $0x100, s16;
	v4 =	vmul.f32 $1.442695020e+00, v5;
	(erf) = vpow2.f32 v6;
	v5 =	vadd.f32 v8, v7  }
0x1db: {  	s15 =	sor.u32 $0x1, s6  }
0x1dc: {  	v6 =	vmov s15  }
0x1dd: {  	v6 =	vand.u32 $0xFFFFFFFD, v6  }
0x1de: {  	v6 =	vbroadcast v6, $0x0;
	_ =	sdelay $0x1  }
0x1df: {  	v7 =	vpop (erf);
	v2 =	vmul.f32 $1.442695020e+00, v2  }
0x1e0: {  	v5 =	vadd.f32 v7, v5;
	(erf) = vpow2.f32 v4  }
0x1e1: {  	v4 =	vpop (erf);
	v3 =	vmul.f32 $1.442695020e+00, v3  }
0x1e2: {  	v4 =	vadd.f32 v4, v5;
	(erf) = vpow2.f32 v2  }
0x1e3: {  	v2 =	vpop (erf);
	v5 =	vld.idx.msk [tilespmem:v6+s22+$0x0], $0xffff  }
0x1e4: {  	(erf) = vpow2.f32 v3;
	v2 =	vadd.f32 v2, v4  }
0x1e5: {  	v3 =	vpop (erf)  }
0x1e6: {  	v2 =	vadd.f32 v3, v2  }
0x1e7: {  	v3 =	vpop (erf)  }
0x1e8: {  	v2 =	vadd.f32 v3, v2;
	v3 =	vshll.u32 v5, $0x1  }
0x1e9: {  	v4 =	vpop (erf);
	v5 =	vand.u32 $0x7F, v5;
	v3 =	vand.u32 $0xFFFFFF00, v3  }
0x1ea: {  	v2 =	vadd.f32 v4, v2;
	v3 =	vor.u32 v3, v5  }
0x1eb: {  	v4 =	vpop (erf);
	v3 =	vor.u32 $0x80, v3  }
0x1ec: {  	v2 =	vadd.f32 v4, v2  }
0x1ed: {  	v4 =	vpop (erf)  }
0x1ee: {  	v2 =	vadd.f32 v4, v2;
	_ =	sdelay $0x1  }
0x1ef: {  	(xrf2) =	vadd.scan.msk.f32 $0xffff, v2;
	v2 =	vld.idx.msk [tilespmem:v3+s2+$0x0], $0xffff;
	_ =	sdelay $0x4  }
0x1f0: {  	(xrf0) =	vmax.scan.msk.f32 $0xffff, v2;
	_ =	sdelay $0x4  }
0x1f1: {  	v2, _, _ =	vpop (xrf2)  }
0x1f2: {  	s16 =	sadd.s32 s5, s6;
	v2 =	vbroadcast v2, $0xF;
	v3, _, _ =	vpop (xrf0)  }
0x1f3: {  	s6 =	sshll.u32 s16, $0xA;
	v3 =	vbroadcast v3, $0xF  }
0x1f4: {  	s29 =	rddreg [dreg:$0x7];
	s6 =	sand.u32 $0x1FFFE000, s6;
	[tilespmem:v6+s7+$0x0] =	vst.idx.msk $0x1, v2  }
0x1f5: {  	s6 =	sadd.s32 s6, s29;
	[tilespmem:v6+s18+$0x0] =	vst.idx.msk $0x1, v3  }
0x1f6: {  	[hbm4b:s6+s19] =	stream.strided.scatter [tilespmem:s2], [sflag:$0x7], $0x4000, s20, s19, $0x38;
	[tilespmem:$0x14300] =	vst v63  }
0x1f7: {  	_ =	swait.ge [sflag:s25], $0x4000  }
0x1f8: {  	[sflag:s25] =	ssyncset.done $0x0  }
0x1f9: {  	s6 =	simm.s32 @!p0 $0x6;
	[sflag:s25] =	ssyncadd.s32 $0xFFFFC000  }
0x1fa: {  	_ =	swait.ge @!p0 [sflag:s6], $0x4000  }
0x1fb: {  	[sflag:s6] =	ssyncset.done @!p0 $0x0  }
0x1fc: {  	[sflag:s6] =	ssyncadd.s32 @!p0 $0xFFFFC000  }
0x1fd: {  	v2 =	vld.msk @!p0 [tilespmem:s30+$0x280], $0x3;
	_ =	sdelay $0x4  }
0x1fe: {  	v3 =	vshll.u32 @!p0 v2, $0x6  }
0x1ff: {  	v4 =	vlaneseq.u32 @!p0;
	v2 =	vand.u32 @!p0 $0x7, v2;
	v3 =	vand.u32 @!p0 $0xFFFFFE00, v3  }
0x200: {  	v2 =	vor.u32 @!p0 v2, v3;
	v3 =	vand.u32 @!p0 $0x1, v4;
	v4 =	vshrl.u32 @!p0 v4, $0x1  }
0x201: {  	v2 =	vperm.xlane @!p0 v2, v3;
	v3 =	vmul.u32 @!p0 $0x8, v4;
	_ =	sdelay $0x1  }
0x202: {  	v2 =	vadd.s32 @!p0 v3, v2;
	_ =	sdelay $0x3  }
0x203: {  	s15 =	simm.s32 @!p0 $0x8100;
	s6 =	simm.s32 @!p0 $0x0  }
0x204: {  	[tilespmem:s15], [sflag:$0x2] =	stream.indirect_vreg.gather @!p0 [hbm4b:s1+s6], $0x80, v2, vm1, $0xb8;
	[tilespmem:$0x14300] =	vst v63  }
0x205: {  	s15 =	simm.s32 @!p0 $0x8900  }
0x206: {  	[tilespmem:s15], [sflag:$0x2] =	stream.indirect_vreg.gather @!p0 [hbm4b:s8+s6], $0x80, v2, vm1, $0xb8;
	[tilespmem:$0x14300] =	vst v63  }
0x207: {  	s15 =	simm.s32 @!p0 $0x9100  }
0x208: {  	[tilespmem:s15], [sflag:$0x2] =	stream.indirect_vreg.gather @!p0 [hbm4b:s9+s6], $0x80, v2, vm1, $0xb8;
	[tilespmem:$0x14300] =	vst v63  }
0x209: {  	s15 =	simm.s32 @!p0 $0x9900  }
0x20a: {  	[tilespmem:s15], [sflag:$0x2] =	stream.indirect_vreg.gather @!p0 [hbm4b:s10+s6], $0x80, v2, vm1, $0xb8;
	[tilespmem:$0x14300] =	vst v63  }
0x20b: {  	s15 =	simm.s32 @!p0 $0xA100  }
0x20c: {  	[tilespmem:s15], [sflag:$0x2] =	stream.indirect_vreg.gather @!p0 [hbm4b:s11+s6], $0x80, v2, vm1, $0xb8;
	[tilespmem:$0x14300] =	vst v63  }
0x20d: {  	s15 =	simm.s32 @!p0 $0xA900  }
0x20e: {  	[tilespmem:s15], [sflag:$0x2] =	stream.indirect_vreg.gather @!p0 [hbm4b:s12+s6], $0x80, v2, vm1, $0xb8;
	[tilespmem:$0x14300] =	vst v63  }
0x20f: {  	s15 =	simm.s32 @!p0 $0xB100  }
0x210: {  	[tilespmem:s15], [sflag:$0x2] =	stream.indirect_vreg.gather @!p0 [hbm4b:s13+s6], $0x80, v2, vm1, $0xb8;
	[tilespmem:$0x14300] =	vst v63  }
0x211: {  	s30 =	simm.s32 $0x10140;
	s15 =	simm.s32 @!p0 $0xB900  }
0x212: {  	[tilespmem:s15], [sflag:$0x2] =	stream.indirect_vreg.gather @!p0 [hbm4b:s14+s6], $0x80, v2, vm1, $0xb8;
	[tilespmem:$0x14300] =	vst v63  }
0x213: {  	v2 =	vld [tilespmem:s30+$0xFFFFFFC0];
	_ =	sdelay $0x1  }
0x214: {  	v3 =	vld [tilespmem:s30+$0xFFFFFFD0];
	_ =	sdelay $0x1  }
0x215: {  	v4 =	vld [tilespmem:s30+$0xFFFFFFE0]  }
0x216: {  	v2 =	vmul.f32 $1.442695020e+00, v2  }
0x217: {  	v5 =	vld [tilespmem:s30+$0xFFFFFFF0]  }
0x218: {  	v3 =	vmul.f32 $1.442695020e+00, v3;
	(erf) = vpow2.f32 v2  }
0x219: {  	v6 =	vld [tilespmem:s30+$0x0]  }
0x21a: {  	v2 =	vmul.f32 $1.442695020e+00, v4;
	(erf) = vpow2.f32 v3  }
0x21b: {  	v7 =	vld [tilespmem:s30+$0x10]  }
0x21c: {  	v3 =	vmul.f32 $1.442695020e+00, v5;
	(erf) = vpow2.f32 v2  }
0x21d: {  	v2 =	vld [tilespmem:s30+$0x20]  }
0x21e: {  	v6 =	vmul.f32 $1.442695020e+00, v6;
	(erf) = vpow2.f32 v3  }
0x21f: {  	v3 =	vld [tilespmem:s30+$0x30]  }
0x220: {  	s6 =	simm.s32 $0x0;
	s15 =	simm.s32 $0x10240;
	v4 =	vmul.f32 $1.442695020e+00, v7;
	v5 =	vimm.f32 $0.0e+00;
	(erf) = vpow2.f32 v6  }
.LBB2_15:
0x221: {  	v6 =	vld [tilespmem:s15+$0xFFFFFFC0];
	s6 =	sadd.s32 $0x8, s6;
	v7 =	vpop (erf)  }
0x222: {  	p0 =	slt.u32 s6, $0x1F8;
	v5 =	vadd.f32 v7, v5;
	v2 =	vmul.f32 $1.442695020e+00, v2;
	(erf) = vpow2.f32 v4  }
0x223: {  	v4 =	vld [tilespmem:s15+$0xFFFFFFD0];
	v7 =	vpop (erf)  }
0x224: {  	v5 =	vadd.f32 v7, v5;
	v3 =	vmul.f32 $1.442695020e+00, v3;
	(erf) = vpow2.f32 v2  }
0x225: {  	v2 =	vld [tilespmem:s15+$0xFFFFFFE0];
	v7 =	vpop (erf)  }
0x226: {  	v6 =	vmul.f32 $1.442695020e+00, v6;
	v5 =	vadd.f32 v7, v5;
	(erf) = vpow2.f32 v3  }
0x227: {  	v3 =	vld [tilespmem:s15+$0xFFFFFFF0];
	v7 =	vpop (erf)  }
0x228: {  	v4 =	vmul.f32 $1.442695020e+00, v4;
	(erf) = vpow2.f32 v6;
	v5 =	vadd.f32 v7, v5  }
0x229: {  	v6 =	vld [tilespmem:s15+$0x0];
	v7 =	vpop (erf)  }
0x22a: {  	v2 =	vmul.f32 $1.442695020e+00, v2;
	(erf) = vpow2.f32 v4;
	v4 =	vadd.f32 v7, v5  }
0x22b: {  	v5 =	vld [tilespmem:s15+$0x10];
	v7 =	vpop (erf)  }
.Ltmp6:
0x22c: {  	v3 =	vmul.f32 $1.442695020e+00, v3;
	(erf) = vpow2.f32 v2;
	v4 =	vadd.f32 v7, v4;
	(pc) =	sbr.rel @p0 .LBB2_15-.Ltmp6, $4  }
0x22d: {  	v2 =	vld [tilespmem:s15+$0x20];
	v7 =	vpop (erf)  }
0x22e: {  	v6 =	vmul.f32 $1.442695020e+00, v6;
	(erf) = vpow2.f32 v3;
	v7 =	vadd.f32 v7, v4  }
0x22f: {  	v3 =	vld [tilespmem:s15+$0x30];
	v8 =	vpop (erf)  }
0x230: {  	s15 =	sadd.s32 $0x100, s15;
	v4 =	vmul.f32 $1.442695020e+00, v5;
	(erf) = vpow2.f32 v6;
	v5 =	vadd.f32 v8, v7  }
0x231: {  	s6 =	sshll.u32 s28, $0x1  }
0x232: {  	v6 =	vmov s6  }
0x233: {  	v6 =	vbroadcast v6, $0x0  }
0x234: {  	v7 =	vpop (erf)  }
0x235: {  	v5 =	vadd.f32 v7, v5;
	v2 =	vmul.f32 $1.442695020e+00, v2  }
0x236: {  	(erf) = vpow2.f32 v4;
	v4 =	vpop (erf)  }
0x237: {  	v4 =	vadd.f32 v4, v5;
	v3 =	vmul.f32 $1.442695020e+00, v3  }
0x238: {  	(erf) = vpow2.f32 v2  }
0x239: {  	v2 =	vpop (erf);
	(erf) = vpow2.f32 v3;
	v3 =	vld.idx.msk [tilespmem:v6+s22+$0x0], $0xffff  }
0x23a: {  	v2 =	vadd.f32 v2, v4  }
0x23b: {  	v4 =	vpop (erf)  }
0x23c: {  	v2 =	vadd.f32 v4, v2  }
0x23d: {  	v4 =	vpop (erf)  }
0x23e: {  	v2 =	vadd.f32 v4, v2;
	v5 =	vshll.u32 v3, $0x1  }
0x23f: {  	v4 =	vpop (erf)  }
0x240: {  	v2 =	vadd.f32 v4, v2;
	v3 =	vand.u32 $0x7F, v3;
	v4 =	vand.u32 $0xFFFFFF00, v5  }
0x241: {  	v3 =	vor.u32 v3, v4;
	v5 =	vpop (erf)  }
0x242: {  	v2 =	vadd.f32 v5, v2  }
0x243: {  	v4 =	vpop (erf)  }
0x244: {  	v2 =	vadd.f32 v4, v2;
	_ =	sdelay $0x1  }
0x245: {  	(xrf2) =	vadd.scan.msk.f32 $0xffff, v2;
	v2 =	vld.idx.msk [tilespmem:v3+s3+$0x0], $0xffff;
	_ =	sdelay $0x4  }
0x246: {  	(xrf0) =	vmax.scan.msk.f32 $0xffff, v2;
	_ =	sdelay $0x4  }
0x247: {  	v2, _, _ =	vpop (xrf2)  }
0x248: {  	v3, _, _ =	vpop (xrf0);
	v2 =	vbroadcast v2, $0xF  }
0x249: {  	v3 =	vbroadcast v3, $0xF  }
0x24a: {  	[tilespmem:v6+s7+$0x0] =	vst.idx.msk $0x1, v2  }
0x24b: {  	s16 =	simm.s32 $0x101F0;
	[tilespmem:v6+s18+$0x0] =	vst.idx.msk $0x1, v3  }
0x24c: {  	v2 =	vld [tilespmem:s16+$0xFFFFFF90];
	_ =	sdelay $0x1  }
0x24d: {  	v3 =	vld [tilespmem:s16+$0xFFFFFFA0];
	_ =	sdelay $0x1  }
0x24e: {  	v4 =	vld [tilespmem:s16+$0xFFFFFFB0]  }
0x24f: {  	v2 =	vmul.f32 $1.442695020e+00, v2  }
0x250: {  	v5 =	vld [tilespmem:s16+$0xFFFFFFC0]  }
0x251: {  	v3 =	vmul.f32 $1.442695020e+00, v3;
	(erf) = vpow2.f32 v2  }
0x252: {  	v6 =	vld [tilespmem:s16+$0xFFFFFFD0]  }
0x253: {  	v2 =	vmul.f32 $1.442695020e+00, v4;
	(erf) = vpow2.f32 v3  }
0x254: {  	v7 =	vld [tilespmem:s16+$0xFFFFFFE0]  }
0x255: {  	v3 =	vmul.f32 $1.442695020e+00, v5;
	(erf) = vpow2.f32 v2  }
0x256: {  	v2 =	vld [tilespmem:s16+$0xFFFFFFF0]  }
0x257: {  	v6 =	vmul.f32 $1.442695020e+00, v6;
	(erf) = vpow2.f32 v3  }
0x258: {  	v3 =	vld [tilespmem:s16+$0x0]  }
0x259: {  	s15 =	simm.s32 $0x0;
	v4 =	vmul.f32 $1.442695020e+00, v7;
	v5 =	vimm.f32 $0.0e+00;
	s16 =	simm.s32 $0x102F0;
	(erf) = vpow2.f32 v6  }
.LBB2_17:
0x25a: {  	v6 =	vld [tilespmem:s16+$0xFFFFFF90];
	s15 =	sadd.s32 $0x8, s15;
	v7 =	vpop (erf)  }
0x25b: {  	p0 =	slt.u32 s15, $0x1F8;
	v5 =	vadd.f32 v7, v5;
	v2 =	vmul.f32 $1.442695020e+00, v2;
	(erf) = vpow2.f32 v4  }
0x25c: {  	v4 =	vld [tilespmem:s16+$0xFFFFFFA0];
	v7 =	vpop (erf)  }
0x25d: {  	v5 =	vadd.f32 v7, v5;
	v3 =	vmul.f32 $1.442695020e+00, v3;
	(erf) = vpow2.f32 v2  }
0x25e: {  	v2 =	vld [tilespmem:s16+$0xFFFFFFB0];
	v7 =	vpop (erf)  }
0x25f: {  	v6 =	vmul.f32 $1.442695020e+00, v6;
	v5 =	vadd.f32 v7, v5;
	(erf) = vpow2.f32 v3  }
0x260: {  	v3 =	vld [tilespmem:s16+$0xFFFFFFC0];
	v7 =	vpop (erf)  }
0x261: {  	v4 =	vmul.f32 $1.442695020e+00, v4;
	(erf) = vpow2.f32 v6;
	v5 =	vadd.f32 v7, v5  }
0x262: {  	v6 =	vld [tilespmem:s16+$0xFFFFFFD0];
	v7 =	vpop (erf)  }
0x263: {  	v2 =	vmul.f32 $1.442695020e+00, v2;
	(erf) = vpow2.f32 v4;
	v4 =	vadd.f32 v7, v5  }
0x264: {  	v5 =	vld [tilespmem:s16+$0xFFFFFFE0];
	v7 =	vpop (erf)  }
.Ltmp7:
0x265: {  	v3 =	vmul.f32 $1.442695020e+00, v3;
	(erf) = vpow2.f32 v2;
	v4 =	vadd.f32 v7, v4;
	(pc) =	sbr.rel @p0 .LBB2_17-.Ltmp7, $4  }
0x266: {  	v2 =	vld [tilespmem:s16+$0xFFFFFFF0];
	v7 =	vpop (erf)  }
0x267: {  	v6 =	vmul.f32 $1.442695020e+00, v6;
	(erf) = vpow2.f32 v3;
	v7 =	vadd.f32 v7, v4  }
0x268: {  	v3 =	vld [tilespmem:s16+$0x0];
	v8 =	vpop (erf)  }
0x269: {  	s16 =	sadd.s32 $0x100, s16;
	v4 =	vmul.f32 $1.442695020e+00, v5;
	(erf) = vpow2.f32 v6;
	v5 =	vadd.f32 v8, v7  }
0x26a: {  	s15 =	sor.u32 $0x1, s6  }
0x26b: {  	v6 =	vmov s15  }
0x26c: {  	v7 =	vpop (erf);
	v2 =	vmul.f32 $1.442695020e+00, v2  }
0x26d: {  	v5 =	vadd.f32 v7, v5;
	(erf) = vpow2.f32 v4  }
0x26e: {  	v59 =	vpop (erf);
	v3 =	vmul.f32 $1.442695020e+00, v3  }
0x26f: {  	v4 =	vadd.f32 v59, v5;
	(erf) = vpow2.f32 v2  }
0x270: {  	v2 =	vpop (erf);
	v60 =	vld.idx.msk [tilespmem:v6+s22+$0x0], $0xffff  }
0x271: {  	(erf) = vpow2.f32 v3;
	v2 =	vadd.f32 v2, v4  }
0x272: {  	v3 =	vpop (erf)  }
0x273: {  	v2 =	vadd.f32 v3, v2  }
0x274: {  	v3 =	vpop (erf)  }
0x275: {  	v2 =	vadd.f32 v3, v2;
	v3 =	vshll.u32 v60, $0x1  }
0x276: {  	v61 =	vpop (erf);
	v5 =	vand.u32 $0x7F, v60;
	v3 =	vand.u32 $0xFFFFFF00, v3  }
0x277: {  	v2 =	vadd.f32 v61, v2;
	v3 =	vor.u32 v3, v5  }
0x278: {  	v62 =	vpop (erf);
	v3 =	vor.u32 $0x80, v3  }
0x279: {  	v2 =	vadd.f32 v62, v2  }
0x27a: {  	v63 =	vpop (erf)  }
0x27b: {  	v2 =	vadd.f32 v63, v2;
	_ =	sdelay $0x1  }
0x27c: {  	(xrf2) =	vadd.scan.msk.f32 $0xffff, v2;
	v2 =	vld.idx.msk [tilespmem:v3+s3+$0x0], $0xffff;
	_ =	sdelay $0x4  }
0x27d: {  	(xrf0) =	vmax.scan.msk.f32 $0xffff, v2;
	_ =	sdelay $0x3  }
0x27e: {  	s26 =	sadd.s32 $0x1, s26  }
0x27f: {  	p0 =	sne.s32 s26, $0x20;
	v2, _, _ =	vpop (xrf2)  }
.Ltmp8:
0x280: {  	s30 =	sadd.s32 s5, s6;
	v2 =	vbroadcast v2, $0xF;
	v3, _, _ =	vpop (xrf0);
	(pc) =	sbr.rel @p0 .LBB2_2-.Ltmp8, $4  }
0x281: {  	s6 =	sshll.u32 s30, $0xA;
	v3 =	vbroadcast v3, $0xF  }
0x282: {  	s6 =	sand.u32 $0x1FFFE000, s6;
	[tilespmem:v6+s7+$0x0] =	vst.idx.msk $0x1, v2  }
0x283: {  	s6 =	sadd.s32 s6, s17;
	[tilespmem:v6+s18+$0x0] =	vst.idx.msk $0x1, v3  }
0x284: {  	[hbm4b:s6+s19] =	stream.strided.scatter [tilespmem:s3], [sflag:$0x8], $0x4000, s20, s19, $0x38;
	[tilespmem:$0x14300] =	vst v63  }
0x285: {  	s6 =	simm.s32 $0x5  }
0x286: {  	_ =	swait.ge [sflag:s6], $0x4000  }
0x287: {  	[sflag:s6] =	ssyncset.done $0x0  }
0x288: {  	s15 =	simm.s32 $0x6;
	[sflag:s6] =	ssyncadd.s32 $0xFFFFC000  }
0x289: {  	_ =	swait.ge [sflag:s15], $0x4000  }
0x28a: {  	[sflag:s15] =	ssyncset.done $0x0  }
0x28b: {  	s16 =	simm.s32 $0x7;
	[sflag:s15] =	ssyncadd.s32 $0xFFFFC000  }
0x28c: {  	_ =	swait.ge [sflag:s16], $0x4000  }
0x28d: {  	[sflag:s16] =	ssyncset.done $0x0  }
0x28e: {  	s26 =	simm.s32 $0x8;
	[sflag:s16] =	ssyncadd.s32 $0xFFFFC000  }
0x28f: {  	_ =	swait.ge [sflag:s26], $0x4000  }
0x290: {  	[sflag:s26] =	ssyncset.done $0x0  }
0x291: {  	s15 =	simm.s32 $0x9;
	s28 =	rddreg [dreg:$0x8];
	[sflag:s26] =	ssyncadd.s32 $0xFFFFC000  }
0x292: {  	[hbm4b:s28+s4] =	stream.linear.scatter [tilespmem:s7], [sflag:$0x9], $0x100, $0x38;
	[tilespmem:$0x14300] =	vst v63  }
0x293: {  	_ =	swait.ge [sflag:s15], $0x100  }
0x294: {  	[sflag:s15] =	ssyncset.done $0x0  }
0x295: {  	s29 =	rddreg [dreg:$0x9];
	[sflag:s15] =	ssyncadd.s32 $0xFFFFFF00  }
0x296: {  	[hbm4b:s29+s4] =	stream.linear.scatter [tilespmem:s18], [sflag:$0x9], $0x100, $0x38;
	[tilespmem:$0x14300] =	vst v63  }
0x297: {  	_ =	swait.ge [sflag:s15], $0x100  }
0x298: {  	s16 =	rddreg [dreg:$0xb]  }
0x299: {  	s30 =	rddreg [dreg:$0xa];
	s16 =	sadd.s32 $0x1, s16  }
0x29a: {  	p0 =	sne.s32 s16, s30  }
.Ltmp9:
0x29b: {  	_ = 	snop;
	(pc) =	sbr.rel @p0 .LBB2_1-.Ltmp9, $3  }
0x29c: {  	_ =	sdelay $0x1  }
0x29d: {  	[sflag:s15] =	ssyncset.done $0x0  }
0x29e: {  	[sflag:s15] =	ssyncadd.s32 $0xFFFFFF00  }
0x29f: {  	_ =	sfence.sel $0x180000  }
0x2a0: {  	[bflag:$0x0] =	sbarrier.arrive $0xFFFF  }
0x2a1: {  	_ =	strace $0x90000047  }
0x2a2: {  	s0 =	stileid.u32;
	[bflag:$0x2] =	sbarrier.arrive $0xFFFF  }
0x2a3: {  	p0 =	sne.s32 s0, $0x0;
	s0 =	rddreg [dreg:$0x3]  }
0x2a4: {  	s0 =	sadd.s32 @!p0 $0x100000, s0  }
0x2a5: {  	[sflag:s0] =	ssyncadd.tile.s32 @!p0 $0x1;
	_ =	shalt  }
.Lfunc_end2:
_tile_overlayer_lowered:
.L_overlay_start_2:
0x2a6: {  	(tag) =	ssettag $0x2  }
0x2a7: {  	s0 =	rddreg [dreg:$0x0];
	s2 =	stileid.u32  }
0x2a8: {  	s1 =	rddreg [dreg:$0x1];
	p0 =	sne.s32 s2, $0x0  }
0x2a9: {  	s3 =	rddreg [dreg:$0x2];
	[bflag:$0x3] =	sbarrier.arrive $0xFFFF;
	s2 =	simm.s32 @!p0 $0x1C09  }
0x2aa: {  	[timem:s3], [sflag:s2] =	dma.local @!p0 [hbm:s0], s1  }
0x2ab: {  	s0 =	simm.s32 @!p0 $0x9  }
0x2ac: {  	_ =	swait.ge @!p0 [sflag:s0], s1  }
0x2ad: {  	s1 =	ssub.s32 @!p0 $0x0, s1;
	[sflag:s0] =	ssyncset.done @!p0 $0x0  }
0x2ae: {  	[sflag:s0] =	ssyncadd.s32 @!p0 s1  }
0x2af: {  	[bflag:$0x3] =	sbarrier.arrive $0xFFFF  }
0x2b0: {  	_ =	shalt  }

</sc_bundles>
